<compile_context>
chip_gen: v7x
topology: tpu7x:2x2x1
jax: 0.10.2.dev20260603
libtpu: 0.0.44.dev20260713+nightly
codegen_flags: <defaults>
</compile_context>

<pallas_src>
import functools

import jax
import jax.numpy as jnp
from jax import lax
from jax.experimental import pallas as pl
from jax.experimental.pallas import tpu as pltpu
from jax.experimental.pallas import tpu_sc as plsc

N = 10000
E = 320000
D = 128
H = 8
OUT = 16
HO = H * OUT
R = 64
NEG_SLOPE = 0.2

NC = 2
NS = 16
NW = NC * NS
CHUNK = 128
NCHUNK = E // CHUNK
NP = 10240
ROWS_PER_TILE = NP // NS

_f32 = jnp.float32
_i32 = jnp.int32


def _prep_body(fs_in, fd_in, ws_ref, wd_ref, re_ref, rw_ref,
               fs_out, es_out, ed_out):
    rel256 = jnp.dot(re_ref[...], rw_ref[...],
                     preferred_element_type=_f32)
    j = lax.broadcasted_iota(_i32, (2 * HO, HO), 0)
    k = lax.broadcasted_iota(_i32, (2 * HO, HO), 1)
    p_dst = (j == (k // OUT) * (2 * OUT) + (k % OUT)).astype(_f32)
    p_src = (j == (k // OUT) * (2 * OUT) + OUT + (k % OUT)).astype(_f32)
    rel_dst_row = jnp.dot(rel256, p_dst, preferred_element_type=_f32)
    rel_src_row = jnp.dot(rel256, p_src, preferred_element_type=_f32)
    sel = (lax.broadcasted_iota(_i32, (HO, H), 0) // OUT ==
           lax.broadcasted_iota(_i32, (HO, H), 1)).astype(_f32)
    fsb = jnp.dot(fs_in[...], ws_ref[...], preferred_element_type=_f32)
    fdb = jnp.dot(fd_in[...], wd_ref[...], preferred_element_type=_f32)
    fs_out[...] = fsb
    es_out[...] = jnp.dot(fsb * rel_src_row, sel, preferred_element_type=_f32)
    ed_out[...] = jnp.dot(fdb * rel_dst_row, sel, preferred_element_type=_f32)


def _prep(feat_src, feat_dst, w_src, w_dst, rel_emb2d, rel_w):
    blk = 400
    grid = (N // blk,)
    return pl.pallas_call(
        _prep_body,
        grid=grid,
        in_specs=[
            pl.BlockSpec((blk, D), lambda i: (i, 0)),
            pl.BlockSpec((blk, D), lambda i: (i, 0)),
            pl.BlockSpec((D, HO), lambda i: (0, 0)),
            pl.BlockSpec((D, HO), lambda i: (0, 0)),
            pl.BlockSpec((1, R), lambda i: (0, 0)),
            pl.BlockSpec((R, 2 * HO), lambda i: (0, 0)),
        ],
        out_specs=[
            pl.BlockSpec((blk, HO), lambda i: (i, 0)),
            pl.BlockSpec((blk, H), lambda i: (i, 0)),
            pl.BlockSpec((blk, H), lambda i: (i, 0)),
        ],
        out_shape=[
            jax.ShapeDtypeStruct((N, HO), _f32),
            jax.ShapeDtypeStruct((N, H), _f32),
            jax.ShapeDtypeStruct((N, H), _f32),
        ],
    )(feat_src, feat_dst, w_src, w_dst, rel_emb2d, rel_w)


def _leaky(x):
    return jnp.where(x > 0, x, NEG_SLOPE * x)


def _sc_edge_body(fs_hbm, es_hbm, ed_hbm, src_hbm, dst_hbm, z128_hbm, z16_hbm,
                  agg_out, den_out,
                  srci, dsti, s16, d16, fsr, exb, agg_sh, den_sh,
                  sem_s, sem_d, sem_f):
    c = lax.axis_index("c")
    s = lax.axis_index("s")
    wid = s * NC + c

    r0 = s * ROWS_PER_TILE
    pltpu.sync_copy(z128_hbm.at[pl.ds(r0, ROWS_PER_TILE)],
                    agg_sh.at[pl.ds(r0, ROWS_PER_TILE)])
    pltpu.sync_copy(z16_hbm.at[pl.ds(r0, ROWS_PER_TILE)],
                    den_sh.at[pl.ds(r0, ROWS_PER_TILE)])
    plsc.subcore_barrier()

    nloc = (NCHUNK - wid + NW - 1) // NW

    def chunk_body(i, carry):
        base = (wid + i * NW) * CHUNK
        pltpu.sync_copy(src_hbm.at[pl.ds(base, CHUNK)], srci)
        pltpu.sync_copy(dst_hbm.at[pl.ds(base, CHUNK)], dsti)
        cp_s = pltpu.async_copy(es_hbm.at[srci], s16, sem_s)
        cp_d = pltpu.async_copy(ed_hbm.at[dsti], d16, sem_d)
        cp_f = pltpu.async_copy(fs_hbm.at[srci], fsr, sem_f)
        cp_s.wait()
        cp_d.wait()
        cp_f.wait()

        dnums = lax.GatherDimensionNumbers(
            offset_dims=(), collapsed_slice_dims=(0,), start_index_map=(0,))

        def edge_body(e, carry2):
            ev = jnp.exp(_leaky(s16[e] + d16[e]))
            exb[e] = ev
            for h in range(H):
                bc = lax.gather(
                    ev, jnp.full((16, 1), h, _i32), dnums, slice_sizes=(1,),
                    mode=lax.GatherScatterMode.PROMISE_IN_BOUNDS)
                row = fsr[e, pl.ds(h * OUT, OUT)]
                fsr[e, pl.ds(h * OUT, OUT)] = row * bc
            return carry2

        lax.fori_loop(0, CHUNK, edge_body, 0)
        pltpu.sync_copy(exb, den_sh.at[dsti], add=True)
        pltpu.sync_copy(fsr, agg_sh.at[dsti], add=True)
        return carry

    lax.fori_loop(0, nloc, chunk_body, 0)

    plsc.subcore_barrier()
    pltpu.sync_copy(agg_sh.at[pl.ds(r0, ROWS_PER_TILE)],
                    agg_out.at[c, pl.ds(r0, ROWS_PER_TILE)])
    pltpu.sync_copy(den_sh.at[pl.ds(r0, ROWS_PER_TILE)],
                    den_out.at[c, pl.ds(r0, ROWS_PER_TILE)])


def _sc_edge(fs, es16, ed16, src_ids, dst_ids, z128, z16):
    mesh = plsc.VectorSubcoreMesh(core_axis_name="c", subcore_axis_name="s",
                                  num_cores=NC, num_subcores=NS)
    fn = pl.kernel(
        _sc_edge_body,
        out_type=(
            jax.ShapeDtypeStruct((NC, NP, HO), _f32),
            jax.ShapeDtypeStruct((NC, NP, 16), _f32),
        ),
        mesh=mesh,
        scratch_types=[
            pltpu.VMEM((CHUNK,), _i32),
            pltpu.VMEM((CHUNK,), _i32),
            pltpu.VMEM((CHUNK, 16), _f32),
            pltpu.VMEM((CHUNK, 16), _f32),
            pltpu.VMEM((CHUNK, HO), _f32),
            pltpu.VMEM((CHUNK, 16), _f32),
            pltpu.VMEM_SHARED((NP, HO), _f32),
            pltpu.VMEM_SHARED((NP, 16), _f32),
            pltpu.SemaphoreType.DMA,
            pltpu.SemaphoreType.DMA,
            pltpu.SemaphoreType.DMA,
        ],
        compiler_params=pltpu.CompilerParams(use_tc_tiling_on_sc=False),
    )
    return fn(fs, es16, ed16, src_ids, dst_ids, z128, z16)


def _post_body(agg_ref, den_ref, out_ref):
    agg = agg_ref[0] + agg_ref[1]
    den = den_ref[0] + den_ref[1]
    hh = lax.broadcasted_iota(_i32, (16, HO), 0)
    kk = lax.broadcasted_iota(_i32, (16, HO), 1)
    expand = ((hh == kk // OUT) & (hh < H)).astype(_f32)
    den_exp = jnp.dot(den, expand, preferred_element_type=_f32)
    out_ref[...] = jnp.maximum(agg / (den_exp + 1e-9), 0.0)


def _post(agg_part, den_part):
    blk = 640
    grid = (NP // blk,)
    return pl.pallas_call(
        _post_body,
        grid=grid,
        in_specs=[
            pl.BlockSpec((NC, blk, HO), lambda i: (0, i, 0)),
            pl.BlockSpec((NC, blk, 16), lambda i: (0, i, 0)),
        ],
        out_specs=pl.BlockSpec((blk, HO), lambda i: (i, 0)),
        out_shape=jax.ShapeDtypeStruct((NP, HO), _f32),
    )(agg_part, den_part)


@jax.jit
def kernel(feat_src, feat_dst, edge_index, src_node_transformation_weight,
           dst_node_transformation_weight, relation_embedding,
           relation_transformation_weight):
    fs, es8, ed8 = _prep(feat_src, feat_dst,
                         src_node_transformation_weight,
                         dst_node_transformation_weight,
                         relation_embedding[None, :],
                         relation_transformation_weight)
    pad = jnp.zeros((N, 8), _f32)
    es16 = jnp.concatenate([es8, pad], axis=1)
    ed16 = jnp.concatenate([ed8, pad], axis=1)
    z128 = jnp.zeros((NP, HO), _f32)
    z16 = jnp.zeros((NP, 16), _f32)
    ei = edge_index.astype(_i32)
    agg_part, den_part = _sc_edge(fs, es16, ed16, ei[0], ei[1], z128, z16)
    out = _post(agg_part, den_part)
    return out[:N].reshape(N, H, OUT)

# --- scband reference (transcript-rebuilt; emitter-appended) ---
"""Pipeline reference for scband-r-hgnn-layer-48009144434782 (READ-ONLY COPY).

The authoritative reference and input builder live on the scoring server;
editing this copy changes nothing except your own understanding.
"""

import jax, jax.numpy as jnp
import numpy as np

N = 10000
E = 320000
D = 128
H = 8
OUT = 16
R = 64
NEG_SLOPE = 0.2


def setup_inputs(seed: int = 0) -> dict:
    key = jax.random.key(seed)
    ks = jax.random.split(key, 7)
    feat_src = jax.random.normal(ks[0], (N, D), dtype=jnp.float32)
    feat_dst = jax.random.normal(ks[1], (N, D), dtype=jnp.float32)
    edge_index = jax.random.randint(ks[2], (2, E), 0, N)
    src_node_transformation_weight = jax.random.normal(ks[3], (D, H * OUT), dtype=jnp.float32) * 0.05
    dst_node_transformation_weight = jax.random.normal(ks[4], (D, H * OUT), dtype=jnp.float32) * 0.05
    relation_embedding = jax.random.normal(ks[5], (R,), dtype=jnp.float32)
    relation_transformation_weight = jax.random.normal(ks[6], (R, H * 2 * OUT), dtype=jnp.float32) * 0.05
    return {
        "feat_src": feat_src,
        "feat_dst": feat_dst,
        "edge_index": edge_index,
        "src_node_transformation_weight": src_node_transformation_weight,
        "dst_node_transformation_weight": dst_node_transformation_weight,
        "relation_embedding": relation_embedding,
        "relation_transformation_weight": relation_transformation_weight,
    }


def _leaky_relu(x, slope):
    return jnp.where(x > 0, x, slope * x)


def reference(feat_src, feat_dst, edge_index,
              src_node_transformation_weight, dst_node_transformation_weight,
              relation_embedding, relation_transformation_weight):
    src = edge_index[0]
    dst = edge_index[1]
    # node transformations (dropout rate = 0 -> identity)
    fs = jnp.matmul(feat_src, src_node_transformation_weight).reshape(-1, H, OUT)
    fd = jnp.matmul(feat_dst, dst_node_transformation_weight).reshape(-1, H, OUT)
    # relation attention weight: (H, 2*OUT)
    rel_attn = jnp.matmul(relation_embedding[None, :], relation_transformation_weight).reshape(H, 2 * OUT)
    e_dst = (fd * rel_attn[:, :OUT]).sum(axis=-1, keepdims=True)  # (N, H, 1)
    e_src = (fs * rel_attn[:, OUT:]).sum(axis=-1, keepdims=True)  # (N, H, 1)
    # per-edge attention logits: u_add_v then leaky relu
    e = _leaky_relu(e_src[src] + e_dst[dst], NEG_SLOPE)  # (E, H, 1)
    # edge softmax normalized per destination node
    m = jax.ops.segment_max(e, dst, num_segments=N)
    m = jnp.where(jnp.isfinite(m), m, 0.0)
    ex = jnp.exp(e - m[dst])
    denom = jax.ops.segment_sum(ex, dst, num_segments=N)
    a = ex / (denom[dst] + 1e-9)  # (E, H, 1)
    # message passing: u_mul_e then sum aggregation to dst
    msg = fs[src] * a  # (E, H, OUT)
    agg = jax.ops.segment_sum(msg, dst, num_segments=N)  # (N, H, OUT)
    dst_features = jax.nn.relu(agg)
    return dst_features

if __name__ == "__main__":
    import jax
    _d = setup_inputs()
    print(jax.jit(kernel)(*tuple(_d.values())))

</pallas_src>

<mosaic_0001>
#map = affine_map<(d0, d1) -> (0, 0)>
#map1 = affine_map<(d0, d1) -> (0)>
#map2 = affine_map<(d0, d1) -> (0, 0, 0)>
module attributes {stable_mosaic.version = 14 : i64} {
  func.func @_sc_edge_body(%arg0: i32, %arg1: i32, %arg2: memref<10000x128xf32, #tpu.memory_space<hbm>>, %arg3: memref<10000x16xf32, #tpu.memory_space<hbm>>, %arg4: memref<10000x16xf32, #tpu.memory_space<hbm>>, %arg5: memref<320000xi32, #tpu.memory_space<hbm>>, %arg6: memref<320000xi32, #tpu.memory_space<hbm>>, %arg7: memref<10240x128xf32, #tpu.memory_space<hbm>>, %arg8: memref<10240x16xf32, #tpu.memory_space<hbm>>, %arg9: memref<2x10240x128xf32, #tpu.memory_space<hbm>>, %arg10: memref<2x10240x16xf32, #tpu.memory_space<hbm>>, %arg11: memref<128xi32, #tpu.memory_space<vmem>>, %arg12: memref<128xi32, #tpu.memory_space<vmem>>, %arg13: memref<128x16xf32, #tpu.memory_space<vmem>>, %arg14: memref<128x16xf32, #tpu.memory_space<vmem>>, %arg15: memref<128x128xf32, #tpu.memory_space<vmem>>, %arg16: memref<128x16xf32, #tpu.memory_space<vmem>>, %arg17: memref<10240x128xf32, #tpu.memory_space<vmem_shared>>, %arg18: memref<10240x16xf32, #tpu.memory_space<vmem_shared>>, %arg19: memref<!tpu.dma_semaphore, #tpu.memory_space<semaphore_mem>>, %arg20: memref<!tpu.dma_semaphore, #tpu.memory_space<semaphore_mem>>, %arg21: memref<!tpu.dma_semaphore, #tpu.memory_space<semaphore_mem>>) attributes {dimension_semantics = [#tpu.dimension_semantics<core_parallel>, #tpu.dimension_semantics<subcore_parallel>], iteration_bounds = array<i64: 2, 16>, scalar_prefetch = 0 : i64, scratch_operands = 11 : i64, tpu.core_type = #tpu.core_type<sc_vector_subcore>, window_params = [{transform_indices = #map}, {transform_indices = #map}, {transform_indices = #map}, {transform_indices = #map1}, {transform_indices = #map1}, {transform_indices = #map}, {transform_indices = #map}, {transform_indices = #map2}, {transform_indices = #map2}]} {
    %mul3A = arith.constant 2 : i32
    %mul3A_0 = arith.muli %arg1, %mul3A : i32
    %add3A = arith.addi %mul3A_0, %arg0 : i32
    %mul3A_1 = arith.constant 640 : i32
    %mul3A_2 = arith.muli %arg1, %mul3A_1 : i32
    "tpu.region"() ({
      %run_scoped3A = tpu.sem_alloc : memref<!tpu.dma_semaphore, #tpu.memory_space<semaphore_mem>>
      %dma_start3A = arith.constant 0 : i32
      %dma_start3A_35 = tpu.memref_slice %arg17[%mul3A_2, %dma_start3A] : memref<10240x128xf32, #tpu.memory_space<vmem_shared>> -> memref<640x128xf32, #tpu.memory_space<vmem_shared>>
      %dma_start3A_36 = arith.constant 0 : i32
      %dma_start3A_37 = tpu.memref_slice %arg7[%mul3A_2, %dma_start3A_36] : memref<10240x128xf32, #tpu.memory_space<hbm>> -> memref<640x128xf32, #tpu.memory_space<hbm>>
      tpu.enqueue_dma source(%dma_start3A_37 : memref<640x128xf32, #tpu.memory_space<hbm>>) target(%dma_start3A_35 : memref<640x128xf32, #tpu.memory_space<vmem_shared>>) target_semaphore(%run_scoped3A : memref<!tpu.dma_semaphore, #tpu.memory_space<semaphore_mem>>)
      %dma_wait3A = arith.constant 0 : i32
      %dma_wait3A_38 = tpu.memref_slice %arg17[%mul3A_2, %dma_wait3A] : memref<10240x128xf32, #tpu.memory_space<vmem_shared>> -> memref<640x128xf32, #tpu.memory_space<vmem_shared>>
      %dma_wait3A_39 = arith.constant 0 : i32
      %dma_wait3A_40 = tpu.memref_slice %arg7[%mul3A_2, %dma_wait3A_39] : memref<10240x128xf32, #tpu.memory_space<hbm>> -> memref<640x128xf32, #tpu.memory_space<hbm>>
      tpu.wait_dma2 semaphore(%run_scoped3A : memref<!tpu.dma_semaphore, #tpu.memory_space<semaphore_mem>>) src(%dma_wait3A_40 : memref<640x128xf32, #tpu.memory_space<hbm>>) dst(%dma_wait3A_38 : memref<640x128xf32, #tpu.memory_space<vmem_shared>>)
      tpu.yield
    }) : () -> ()
    "tpu.region"() ({
      %run_scoped3A = tpu.sem_alloc : memref<!tpu.dma_semaphore, #tpu.memory_space<semaphore_mem>>
      %dma_start3A = arith.constant 0 : i32
      %dma_start3A_35 = tpu.memref_slice %arg18[%mul3A_2, %dma_start3A] : memref<10240x16xf32, #tpu.memory_space<vmem_shared>> -> memref<640x16xf32, #tpu.memory_space<vmem_shared>>
      %dma_start3A_36 = arith.constant 0 : i32
      %dma_start3A_37 = tpu.memref_slice %arg8[%mul3A_2, %dma_start3A_36] : memref<10240x16xf32, #tpu.memory_space<hbm>> -> memref<640x16xf32, #tpu.memory_space<hbm>>
      tpu.enqueue_dma source(%dma_start3A_37 : memref<640x16xf32, #tpu.memory_space<hbm>>) target(%dma_start3A_35 : memref<640x16xf32, #tpu.memory_space<vmem_shared>>) target_semaphore(%run_scoped3A : memref<!tpu.dma_semaphore, #tpu.memory_space<semaphore_mem>>)
      %dma_wait3A = arith.constant 0 : i32
      %dma_wait3A_38 = tpu.memref_slice %arg18[%mul3A_2, %dma_wait3A] : memref<10240x16xf32, #tpu.memory_space<vmem_shared>> -> memref<640x16xf32, #tpu.memory_space<vmem_shared>>
      %dma_wait3A_39 = arith.constant 0 : i32
      %dma_wait3A_40 = tpu.memref_slice %arg8[%mul3A_2, %dma_wait3A_39] : memref<10240x16xf32, #tpu.memory_space<hbm>> -> memref<640x16xf32, #tpu.memory_space<hbm>>
      tpu.wait_dma2 semaphore(%run_scoped3A : memref<!tpu.dma_semaphore, #tpu.memory_space<semaphore_mem>>) src(%dma_wait3A_40 : memref<640x16xf32, #tpu.memory_space<hbm>>) dst(%dma_wait3A_38 : memref<640x16xf32, #tpu.memory_space<vmem_shared>>)
      tpu.yield
    }) : () -> ()
    %barrier3A = arith.constant 0 : index
    tpu.barrier barrier_id(%barrier3A)
    %sub3A = arith.constant 2500 : i32
    %sub3A_3 = arith.subi %sub3A, %add3A : i32
    %add3A_4 = arith.constant 32 : i32
    %add3A_5 = arith.addi %sub3A_3, %add3A_4 : i32
    %sub3A_6 = arith.constant 1 : i32
    %sub3A_7 = arith.subi %add3A_5, %sub3A_6 : i32
    %jit3A = arith.constant 32 : i32
    %div3A = arith.divsi %sub3A_7, %jit3A : i32
    %sign3A = arith.constant 0 : i32
    %sign3A_8 = arith.cmpi sgt, %sub3A_7, %sign3A : i32
    %sign3A_9 = arith.extui %sign3A_8 : i1 to i32
    %sign3A_10 = arith.constant 0 : i32
    %sign3A_11 = arith.cmpi slt, %sub3A_7, %sign3A_10 : i32
    %sign3A_12 = arith.extui %sign3A_11 : i1 to i32
    %sign3A_13 = arith.subi %sign3A_9, %sign3A_12 : i32
    %sign3A_14 = arith.constant 0 : i32
    %sign3A_15 = arith.cmpi sgt, %jit3A, %sign3A_14 : i32
    %sign3A_16 = arith.extui %sign3A_15 : i1 to i32
    %sign3A_17 = arith.constant 0 : i32
    %sign3A_18 = arith.cmpi slt, %jit3A, %sign3A_17 : i32
    %sign3A_19 = arith.extui %sign3A_18 : i1 to i32
    %sign3A_20 = arith.subi %sign3A_16, %sign3A_19 : i32
    %ne3A = arith.cmpi ne, %sign3A_13, %sign3A_20 : i32
    %rem3A = arith.remsi %sub3A_7, %jit3A : i32
    %ne3A_21 = arith.constant 0 : i32
    %ne3A_22 = arith.cmpi ne, %rem3A, %ne3A_21 : i32
    %and3A = arith.andi %ne3A, %ne3A_22 : i1
    %sub3A_23 = arith.constant 1 : i32
    %sub3A_24 = arith.subi %div3A, %sub3A_23 : i32
    %select_n3A = arith.select %and3A, %sub3A_24, %div3A : i32
    %while3A = arith.constant 0 : i32
    %while3A_25 = arith.constant 0 : i32
    %while3A_26 = arith.subi %select_n3A, %while3A_25 : i32
    %while3A_27 = arith.addi %while3A_25, %while3A_26 : i32
    %while3A_28 = arith.constant 1 : i32
    %while3A_29 = arith.divsi %while3A_26, %while3A_28 : i32
    %while3A_30 = arith.muli %while3A_29, %while3A_28 : i32
    %while3A_31 = arith.addi %while3A_25, %while3A_30 : i32
    %while3A_32 = arith.constant 1 : i32
    scf.for %while3A_35 = %while3A_25 to %while3A_31 step %while3A_32  : i32 {
      %mul3A_36 = arith.constant 32 : i32
      %mul3A_37 = arith.muli %while3A_35, %mul3A_36 : i32
      %add3A_38 = arith.addi %add3A, %mul3A_37 : i32
      %mul3A_39 = arith.constant 128 : i32
      %mul3A_40 = arith.muli %add3A_38, %mul3A_39 : i32
      "tpu.region"() ({
        %run_scoped3A = tpu.sem_alloc : memref<!tpu.dma_semaphore, #tpu.memory_space<semaphore_mem>>
        %dma_start3A_62 = tpu.memref_slice %arg5[%mul3A_40] : memref<320000xi32, #tpu.memory_space<hbm>> -> memref<128xi32, #tpu.memory_space<hbm>>
        %dma_start3A_63 = tpu.memref_slice %arg5[%mul3A_40] : memref<320000xi32, #tpu.memory_space<hbm>> -> memref<128xi32, #tpu.memory_space<hbm>>
        tpu.enqueue_dma source(%dma_start3A_63 : memref<128xi32, #tpu.memory_space<hbm>>) target(%arg11 : memref<128xi32, #tpu.memory_space<vmem>>) target_semaphore(%run_scoped3A : memref<!tpu.dma_semaphore, #tpu.memory_space<semaphore_mem>>)
        %dma_wait3A_64 = tpu.memref_slice %arg5[%mul3A_40] : memref<320000xi32, #tpu.memory_space<hbm>> -> memref<128xi32, #tpu.memory_space<hbm>>
        %dma_wait3A_65 = tpu.memref_slice %arg5[%mul3A_40] : memref<320000xi32, #tpu.memory_space<hbm>> -> memref<128xi32, #tpu.memory_space<hbm>>
        tpu.wait_dma2 semaphore(%run_scoped3A : memref<!tpu.dma_semaphore, #tpu.memory_space<semaphore_mem>>) src(%dma_wait3A_65 : memref<128xi32, #tpu.memory_space<hbm>>) dst(%arg11 : memref<128xi32, #tpu.memory_space<vmem>>)
        tpu.yield
      }) : () -> ()
      "tpu.region"() ({
        %run_scoped3A = tpu.sem_alloc : memref<!tpu.dma_semaphore, #tpu.memory_space<semaphore_mem>>
        %dma_start3A_62 = tpu.memref_slice %arg6[%mul3A_40] : memref<320000xi32, #tpu.memory_space<hbm>> -> memref<128xi32, #tpu.memory_space<hbm>>
        %dma_start3A_63 = tpu.memref_slice %arg6[%mul3A_40] : memref<320000xi32, #tpu.memory_space<hbm>> -> memref<128xi32, #tpu.memory_space<hbm>>
        tpu.enqueue_dma source(%dma_start3A_63 : memref<128xi32, #tpu.memory_space<hbm>>) target(%arg12 : memref<128xi32, #tpu.memory_space<vmem>>) target_semaphore(%run_scoped3A : memref<!tpu.dma_semaphore, #tpu.memory_space<semaphore_mem>>)
        %dma_wait3A_64 = tpu.memref_slice %arg6[%mul3A_40] : memref<320000xi32, #tpu.memory_space<hbm>> -> memref<128xi32, #tpu.memory_space<hbm>>
        %dma_wait3A_65 = tpu.memref_slice %arg6[%mul3A_40] : memref<320000xi32, #tpu.memory_space<hbm>> -> memref<128xi32, #tpu.memory_space<hbm>>
        tpu.wait_dma2 semaphore(%run_scoped3A : memref<!tpu.dma_semaphore, #tpu.memory_space<semaphore_mem>>) src(%dma_wait3A_65 : memref<128xi32, #tpu.memory_space<hbm>>) dst(%arg12 : memref<128xi32, #tpu.memory_space<vmem>>)
        tpu.yield
      }) : () -> ()
      %dma_start3A = arith.constant 0 : i32
      %dma_start3A_41 = arith.constant 0 : i32
      %dma_start3A_42 = tpu.memref_slice %arg3[%dma_start3A, %dma_start3A_41] : memref<10000x16xf32, #tpu.memory_space<hbm>> -> memref<10000x16xf32, #tpu.memory_space<hbm>>
      tpu.enqueue_indirect_dma source(%dma_start3A_42 : memref<10000x16xf32, #tpu.memory_space<hbm>>) target(%arg13 : memref<128x16xf32, #tpu.memory_space<vmem>>) offsets(%arg11 : memref<128xi32, #tpu.memory_space<vmem>>) semaphore(%arg19 : memref<!tpu.dma_semaphore, #tpu.memory_space<semaphore_mem>>)
      %dma_start3A_43 = arith.constant 0 : i32
      %dma_start3A_44 = arith.constant 0 : i32
      %dma_start3A_45 = tpu.memref_slice %arg4[%dma_start3A_43, %dma_start3A_44] : memref<10000x16xf32, #tpu.memory_space<hbm>> -> memref<10000x16xf32, #tpu.memory_space<hbm>>
      tpu.enqueue_indirect_dma source(%dma_start3A_45 : memref<10000x16xf32, #tpu.memory_space<hbm>>) target(%arg14 : memref<128x16xf32, #tpu.memory_space<vmem>>) offsets(%arg12 : memref<128xi32, #tpu.memory_space<vmem>>) semaphore(%arg20 : memref<!tpu.dma_semaphore, #tpu.memory_space<semaphore_mem>>)
      %dma_start3A_46 = arith.constant 0 : i32
      %dma_start3A_47 = arith.constant 0 : i32
      %dma_start3A_48 = tpu.memref_slice %arg2[%dma_start3A_46, %dma_start3A_47] : memref<10000x128xf32, #tpu.memory_space<hbm>> -> memref<10000x128xf32, #tpu.memory_space<hbm>>
      tpu.enqueue_indirect_dma source(%dma_start3A_48 : memref<10000x128xf32, #tpu.memory_space<hbm>>) target(%arg15 : memref<128x128xf32, #tpu.memory_space<vmem>>) offsets(%arg11 : memref<128xi32, #tpu.memory_space<vmem>>) semaphore(%arg21 : memref<!tpu.dma_semaphore, #tpu.memory_space<semaphore_mem>>)
      %dma_wait3A = arith.constant 0 : i32
      %dma_wait3A_49 = arith.constant 0 : i32
      %dma_wait3A_50 = tpu.memref_slice %arg3[%dma_wait3A, %dma_wait3A_49] : memref<10000x16xf32, #tpu.memory_space<hbm>> -> memref<10000x16xf32, #tpu.memory_space<hbm>>
      tpu.wait_indirect_dma semaphore(%arg19 : memref<!tpu.dma_semaphore, #tpu.memory_space<semaphore_mem>>) src(%dma_wait3A_50 : memref<10000x16xf32, #tpu.memory_space<hbm>>) dst(%arg13 : memref<128x16xf32, #tpu.memory_space<vmem>>)
      %dma_wait3A_51 = arith.constant 0 : i32
      %dma_wait3A_52 = arith.constant 0 : i32
      %dma_wait3A_53 = tpu.memref_slice %arg4[%dma_wait3A_51, %dma_wait3A_52] : memref<10000x16xf32, #tpu.memory_space<hbm>> -> memref<10000x16xf32, #tpu.memory_space<hbm>>
      tpu.wait_indirect_dma semaphore(%arg20 : memref<!tpu.dma_semaphore, #tpu.memory_space<semaphore_mem>>) src(%dma_wait3A_53 : memref<10000x16xf32, #tpu.memory_space<hbm>>) dst(%arg14 : memref<128x16xf32, #tpu.memory_space<vmem>>)
      %dma_wait3A_54 = arith.constant 0 : i32
      %dma_wait3A_55 = arith.constant 0 : i32
      %dma_wait3A_56 = tpu.memref_slice %arg2[%dma_wait3A_54, %dma_wait3A_55] : memref<10000x128xf32, #tpu.memory_space<hbm>> -> memref<10000x128xf32, #tpu.memory_space<hbm>>
      tpu.wait_indirect_dma semaphore(%arg21 : memref<!tpu.dma_semaphore, #tpu.memory_space<semaphore_mem>>) src(%dma_wait3A_56 : memref<10000x128xf32, #tpu.memory_space<hbm>>) dst(%arg15 : memref<128x128xf32, #tpu.memory_space<vmem>>)
      %scan3A = arith.constant 0 : i32
      %scan3A_57 = arith.constant 0 : i32
      %scan3A_58 = arith.constant 128 : i32
      %scan3A_59 = arith.addi %scan3A_57, %scan3A_58 : i32
      %scan3A_60 = arith.constant 1 : i32
      scf.for %scan3A_62 = %scan3A_57 to %scan3A_59 step %scan3A_60  : i32 {
        %get3A = arith.index_cast %scan3A_62 : i32 to index
        %get3A_63 = arith.constant 0 : index
        %get3A_64 = tpu.vector_load %arg13[%get3A, %get3A_63] {strides = array<i32>} : memref<128x16xf32, #tpu.memory_space<vmem>>, vector<1x16xf32>,
        %get3A_65 = vector.shape_cast %get3A_64 : vector<1x16xf32> to vector<16xf32>
        %get3A_66 = arith.index_cast %scan3A_62 : i32 to index
        %get3A_67 = arith.constant 0 : index
        %get3A_68 = tpu.vector_load %arg14[%get3A_66, %get3A_67] {strides = array<i32>} : memref<128x16xf32, #tpu.memory_space<vmem>>, vector<1x16xf32>,
        %get3A_69 = vector.shape_cast %get3A_68 : vector<1x16xf32> to vector<16xf32>
        %add3A_70 = arith.addf %get3A_65, %get3A_69 : vector<16xf32>
        %gt3A = arith.constant 0.000000e+00 : f32
        %gt3A_71 = vector.broadcast %gt3A : f32 to vector<16xf32>
        %gt3A_72 = arith.cmpf ogt, %add3A_70, %gt3A_71 : vector<16xf32>
        %mul3A_73 = arith.constant 2.000000e-01 : f32
        %mul3A_74 = vector.broadcast %mul3A_73 : f32 to vector<16xf32>
        %mul3A_75 = arith.mulf %mul3A_74, %add3A_70 : vector<16xf32>
        %select_n3A_76 = arith.select %gt3A_72, %add3A_70, %mul3A_75 : vector<16xi1>, vector<16xf32>
        %exp3A = math.exp %select_n3A_76 : vector<16xf32>
        %swap3A = arith.index_cast %scan3A_62 : i32 to index
        %swap3A_77 = arith.constant 0 : index
        %swap3A_78 = tpu.vector_load %arg16[%swap3A, %swap3A_77] {strides = array<i32>} : memref<128x16xf32, #tpu.memory_space<vmem>>, vector<1x16xf32>,
        %swap3A_79 = vector.shape_cast %swap3A_78 : vector<1x16xf32> to vector<16xf32>
        %swap3A_80 = vector.shape_cast %exp3A : vector<16xf32> to vector<1x16xf32>
        tpu.vector_store %arg16[%swap3A, %swap3A_77], %swap3A_80 {strides = array<i32>} : memref<128x16xf32, #tpu.memory_space<vmem>>, vector<1x16xf32>,
        %broadcast_in_dim3A = arith.constant 0 : i32
        %broadcast_in_dim3A_81 = vector.broadcast %broadcast_in_dim3A : i32 to vector<16x1xi32>
        %gather3A = vector.shape_cast %broadcast_in_dim3A_81 : vector<16x1xi32> to vector<16xi32>
        %gather3A_82 = tpu.dynamic_gather %exp3A[%gather3A] in [0] : vector<16xf32>, vector<16xi32> -> vector<16xf32>
        %get3A_83 = arith.index_cast %scan3A_62 : i32 to index
        %get3A_84 = arith.constant 0 : index
        %get3A_85 = tpu.vector_load %arg15[%get3A_83, %get3A_84] {strides = array<i32>} : memref<128x128xf32, #tpu.memory_space<vmem>>, vector<1x16xf32>,
        %get3A_86 = vector.shape_cast %get3A_85 : vector<1x16xf32> to vector<16xf32>
        %mul3A_87 = arith.mulf %get3A_86, %gather3A_82 : vector<16xf32>
        %swap3A_88 = arith.index_cast %scan3A_62 : i32 to index
        %swap3A_89 = arith.constant 0 : index
        %swap3A_90 = tpu.vector_load %arg15[%swap3A_88, %swap3A_89] {strides = array<i32>} : memref<128x128xf32, #tpu.memory_space<vmem>>, vector<1x16xf32>,
        %swap3A_91 = vector.shape_cast %swap3A_90 : vector<1x16xf32> to vector<16xf32>
        %swap3A_92 = vector.shape_cast %mul3A_87 : vector<16xf32> to vector<1x16xf32>
        tpu.vector_store %arg15[%swap3A_88, %swap3A_89], %swap3A_92 {strides = array<i32>} : memref<128x128xf32, #tpu.memory_space<vmem>>, vector<1x16xf32>,
        %broadcast_in_dim3A_93 = arith.constant 1 : i32
        %broadcast_in_dim3A_94 = vector.broadcast %broadcast_in_dim3A_93 : i32 to vector<16x1xi32>
        %gather3A_95 = vector.shape_cast %broadcast_in_dim3A_94 : vector<16x1xi32> to vector<16xi32>
        %gather3A_96 = tpu.dynamic_gather %exp3A[%gather3A_95] in [0] : vector<16xf32>, vector<16xi32> -> vector<16xf32>
        %get3A_97 = arith.index_cast %scan3A_62 : i32 to index
        %get3A_98 = arith.constant 16 : index
        %get3A_99 = tpu.vector_load %arg15[%get3A_97, %get3A_98] {strides = array<i32>} : memref<128x128xf32, #tpu.memory_space<vmem>>, vector<1x16xf32>,
        %get3A_100 = vector.shape_cast %get3A_99 : vector<1x16xf32> to vector<16xf32>
        %mul3A_101 = arith.mulf %get3A_100, %gather3A_96 : vector<16xf32>
        %swap3A_102 = arith.index_cast %scan3A_62 : i32 to index
        %swap3A_103 = arith.constant 16 : index
        %swap3A_104 = tpu.vector_load %arg15[%swap3A_102, %swap3A_103] {strides = array<i32>} : memref<128x128xf32, #tpu.memory_space<vmem>>, vector<1x16xf32>,
        %swap3A_105 = vector.shape_cast %swap3A_104 : vector<1x16xf32> to vector<16xf32>
        %swap3A_106 = vector.shape_cast %mul3A_101 : vector<16xf32> to vector<1x16xf32>
        tpu.vector_store %arg15[%swap3A_102, %swap3A_103], %swap3A_106 {strides = array<i32>} : memref<128x128xf32, #tpu.memory_space<vmem>>, vector<1x16xf32>,
        %broadcast_in_dim3A_107 = arith.constant 2 : i32
        %broadcast_in_dim3A_108 = vector.broadcast %broadcast_in_dim3A_107 : i32 to vector<16x1xi32>
        %gather3A_109 = vector.shape_cast %broadcast_in_dim3A_108 : vector<16x1xi32> to vector<16xi32>
        %gather3A_110 = tpu.dynamic_gather %exp3A[%gather3A_109] in [0] : vector<16xf32>, vector<16xi32> -> vector<16xf32>
        %get3A_111 = arith.index_cast %scan3A_62 : i32 to index
        %get3A_112 = arith.constant 32 : index
        %get3A_113 = tpu.vector_load %arg15[%get3A_111, %get3A_112] {strides = array<i32>} : memref<128x128xf32, #tpu.memory_space<vmem>>, vector<1x16xf32>,
        %get3A_114 = vector.shape_cast %get3A_113 : vector<1x16xf32> to vector<16xf32>
        %mul3A_115 = arith.mulf %get3A_114, %gather3A_110 : vector<16xf32>
        %swap3A_116 = arith.index_cast %scan3A_62 : i32 to index
        %swap3A_117 = arith.constant 32 : index
        %swap3A_118 = tpu.vector_load %arg15[%swap3A_116, %swap3A_117] {strides = array<i32>} : memref<128x128xf32, #tpu.memory_space<vmem>>, vector<1x16xf32>,
        %swap3A_119 = vector.shape_cast %swap3A_118 : vector<1x16xf32> to vector<16xf32>
        %swap3A_120 = vector.shape_cast %mul3A_115 : vector<16xf32> to vector<1x16xf32>
        tpu.vector_store %arg15[%swap3A_116, %swap3A_117], %swap3A_120 {strides = array<i32>} : memref<128x128xf32, #tpu.memory_space<vmem>>, vector<1x16xf32>,
        %broadcast_in_dim3A_121 = arith.constant 3 : i32
        %broadcast_in_dim3A_122 = vector.broadcast %broadcast_in_dim3A_121 : i32 to vector<16x1xi32>
        %gather3A_123 = vector.shape_cast %broadcast_in_dim3A_122 : vector<16x1xi32> to vector<16xi32>
        %gather3A_124 = tpu.dynamic_gather %exp3A[%gather3A_123] in [0] : vector<16xf32>, vector<16xi32> -> vector<16xf32>
        %get3A_125 = arith.index_cast %scan3A_62 : i32 to index
        %get3A_126 = arith.constant 48 : index
        %get3A_127 = tpu.vector_load %arg15[%get3A_125, %get3A_126] {strides = array<i32>} : memref<128x128xf32, #tpu.memory_space<vmem>>, vector<1x16xf32>,
        %get3A_128 = vector.shape_cast %get3A_127 : vector<1x16xf32> to vector<16xf32>
        %mul3A_129 = arith.mulf %get3A_128, %gather3A_124 : vector<16xf32>
        %swap3A_130 = arith.index_cast %scan3A_62 : i32 to index
        %swap3A_131 = arith.constant 48 : index
        %swap3A_132 = tpu.vector_load %arg15[%swap3A_130, %swap3A_131] {strides = array<i32>} : memref<128x128xf32, #tpu.memory_space<vmem>>, vector<1x16xf32>,
        %swap3A_133 = vector.shape_cast %swap3A_132 : vector<1x16xf32> to vector<16xf32>
        %swap3A_134 = vector.shape_cast %mul3A_129 : vector<16xf32> to vector<1x16xf32>
        tpu.vector_store %arg15[%swap3A_130, %swap3A_131], %swap3A_134 {strides = array<i32>} : memref<128x128xf32, #tpu.memory_space<vmem>>, vector<1x16xf32>,
        %broadcast_in_dim3A_135 = arith.constant 4 : i32
        %broadcast_in_dim3A_136 = vector.broadcast %broadcast_in_dim3A_135 : i32 to vector<16x1xi32>
        %gather3A_137 = vector.shape_cast %broadcast_in_dim3A_136 : vector<16x1xi32> to vector<16xi32>
        %gather3A_138 = tpu.dynamic_gather %exp3A[%gather3A_137] in [0] : vector<16xf32>, vector<16xi32> -> vector<16xf32>
        %get3A_139 = arith.index_cast %scan3A_62 : i32 to index
        %get3A_140 = arith.constant 64 : index
        %get3A_141 = tpu.vector_load %arg15[%get3A_139, %get3A_140] {strides = array<i32>} : memref<128x128xf32, #tpu.memory_space<vmem>>, vector<1x16xf32>,
        %get3A_142 = vector.shape_cast %get3A_141 : vector<1x16xf32> to vector<16xf32>
        %mul3A_143 = arith.mulf %get3A_142, %gather3A_138 : vector<16xf32>
        %swap3A_144 = arith.index_cast %scan3A_62 : i32 to index
        %swap3A_145 = arith.constant 64 : index
        %swap3A_146 = tpu.vector_load %arg15[%swap3A_144, %swap3A_145] {strides = array<i32>} : memref<128x128xf32, #tpu.memory_space<vmem>>, vector<1x16xf32>,
        %swap3A_147 = vector.shape_cast %swap3A_146 : vector<1x16xf32> to vector<16xf32>
        %swap3A_148 = vector.shape_cast %mul3A_143 : vector<16xf32> to vector<1x16xf32>
        tpu.vector_store %arg15[%swap3A_144, %swap3A_145], %swap3A_148 {strides = array<i32>} : memref<128x128xf32, #tpu.memory_space<vmem>>, vector<1x16xf32>,
        %broadcast_in_dim3A_149 = arith.constant 5 : i32
        %broadcast_in_dim3A_150 = vector.broadcast %broadcast_in_dim3A_149 : i32 to vector<16x1xi32>
        %gather3A_151 = vector.shape_cast %broadcast_in_dim3A_150 : vector<16x1xi32> to vector<16xi32>
        %gather3A_152 = tpu.dynamic_gather %exp3A[%gather3A_151] in [0] : vector<16xf32>, vector<16xi32> -> vector<16xf32>
        %get3A_153 = arith.index_cast %scan3A_62 : i32 to index
        %get3A_154 = arith.constant 80 : index
        %get3A_155 = tpu.vector_load %arg15[%get3A_153, %get3A_154] {strides = array<i32>} : memref<128x128xf32, #tpu.memory_space<vmem>>, vector<1x16xf32>,
        %get3A_156 = vector.shape_cast %get3A_155 : vector<1x16xf32> to vector<16xf32>
        %mul3A_157 = arith.mulf %get3A_156, %gather3A_152 : vector<16xf32>
        %swap3A_158 = arith.index_cast %scan3A_62 : i32 to index
        %swap3A_159 = arith.constant 80 : index
        %swap3A_160 = tpu.vector_load %arg15[%swap3A_158, %swap3A_159] {strides = array<i32>} : memref<128x128xf32, #tpu.memory_space<vmem>>, vector<1x16xf32>,
        %swap3A_161 = vector.shape_cast %swap3A_160 : vector<1x16xf32> to vector<16xf32>
        %swap3A_162 = vector.shape_cast %mul3A_157 : vector<16xf32> to vector<1x16xf32>
        tpu.vector_store %arg15[%swap3A_158, %swap3A_159], %swap3A_162 {strides = array<i32>} : memref<128x128xf32, #tpu.memory_space<vmem>>, vector<1x16xf32>,
        %broadcast_in_dim3A_163 = arith.constant 6 : i32
        %broadcast_in_dim3A_164 = vector.broadcast %broadcast_in_dim3A_163 : i32 to vector<16x1xi32>
        %gather3A_165 = vector.shape_cast %broadcast_in_dim3A_164 : vector<16x1xi32> to vector<16xi32>
        %gather3A_166 = tpu.dynamic_gather %exp3A[%gather3A_165] in [0] : vector<16xf32>, vector<16xi32> -> vector<16xf32>
        %get3A_167 = arith.index_cast %scan3A_62 : i32 to index
        %get3A_168 = arith.constant 96 : index
        %get3A_169 = tpu.vector_load %arg15[%get3A_167, %get3A_168] {strides = array<i32>} : memref<128x128xf32, #tpu.memory_space<vmem>>, vector<1x16xf32>,
        %get3A_170 = vector.shape_cast %get3A_169 : vector<1x16xf32> to vector<16xf32>
        %mul3A_171 = arith.mulf %get3A_170, %gather3A_166 : vector<16xf32>
        %swap3A_172 = arith.index_cast %scan3A_62 : i32 to index
        %swap3A_173 = arith.constant 96 : index
        %swap3A_174 = tpu.vector_load %arg15[%swap3A_172, %swap3A_173] {strides = array<i32>} : memref<128x128xf32, #tpu.memory_space<vmem>>, vector<1x16xf32>,
        %swap3A_175 = vector.shape_cast %swap3A_174 : vector<1x16xf32> to vector<16xf32>
        %swap3A_176 = vector.shape_cast %mul3A_171 : vector<16xf32> to vector<1x16xf32>
        tpu.vector_store %arg15[%swap3A_172, %swap3A_173], %swap3A_176 {strides = array<i32>} : memref<128x128xf32, #tpu.memory_space<vmem>>, vector<1x16xf32>,
        %broadcast_in_dim3A_177 = arith.constant 7 : i32
        %broadcast_in_dim3A_178 = vector.broadcast %broadcast_in_dim3A_177 : i32 to vector<16x1xi32>
        %gather3A_179 = vector.shape_cast %broadcast_in_dim3A_178 : vector<16x1xi32> to vector<16xi32>
        %gather3A_180 = tpu.dynamic_gather %exp3A[%gather3A_179] in [0] : vector<16xf32>, vector<16xi32> -> vector<16xf32>
        %get3A_181 = arith.index_cast %scan3A_62 : i32 to index
        %get3A_182 = arith.constant 112 : index
        %get3A_183 = tpu.vector_load %arg15[%get3A_181, %get3A_182] {strides = array<i32>} : memref<128x128xf32, #tpu.memory_space<vmem>>, vector<1x16xf32>,
        %get3A_184 = vector.shape_cast %get3A_183 : vector<1x16xf32> to vector<16xf32>
        %mul3A_185 = arith.mulf %get3A_184, %gather3A_180 : vector<16xf32>
        %swap3A_186 = arith.index_cast %scan3A_62 : i32 to index
        %swap3A_187 = arith.constant 112 : index
        %swap3A_188 = tpu.vector_load %arg15[%swap3A_186, %swap3A_187] {strides = array<i32>} : memref<128x128xf32, #tpu.memory_space<vmem>>, vector<1x16xf32>,
        %swap3A_189 = vector.shape_cast %swap3A_188 : vector<1x16xf32> to vector<16xf32>
        %swap3A_190 = vector.shape_cast %mul3A_185 : vector<16xf32> to vector<1x16xf32>
        tpu.vector_store %arg15[%swap3A_186, %swap3A_187], %swap3A_190 {strides = array<i32>} : memref<128x128xf32, #tpu.memory_space<vmem>>, vector<1x16xf32>,
      }
      %scan3A_61 = arith.constant 128 : i32
      "tpu.region"() ({
        %run_scoped3A = tpu.sem_alloc : memref<!tpu.dma_semaphore, #tpu.memory_space<semaphore_mem>>
        %dma_start3A_62 = arith.constant 0 : i32
        %dma_start3A_63 = arith.constant 0 : i32
        %dma_start3A_64 = tpu.memref_slice %arg18[%dma_start3A_62, %dma_start3A_63] : memref<10240x16xf32, #tpu.memory_space<vmem_shared>> -> memref<10240x16xf32, #tpu.memory_space<vmem_shared>>
        tpu.enqueue_indirect_dma source(%arg16 : memref<128x16xf32, #tpu.memory_space<vmem>>) target(%dma_start3A_64 : memref<10240x16xf32, #tpu.memory_space<vmem_shared>>) offsets(%arg12 : memref<128xi32, #tpu.memory_space<vmem>>) semaphore(%run_scoped3A : memref<!tpu.dma_semaphore, #tpu.memory_space<semaphore_mem>>) {add = true}
        %dma_wait3A_65 = arith.constant 0 : i32
        %dma_wait3A_66 = arith.constant 0 : i32
        %dma_wait3A_67 = tpu.memref_slice %arg18[%dma_wait3A_65, %dma_wait3A_66] : memref<10240x16xf32, #tpu.memory_space<vmem_shared>> -> memref<10240x16xf32, #tpu.memory_space<vmem_shared>>
        tpu.wait_indirect_dma semaphore(%run_scoped3A : memref<!tpu.dma_semaphore, #tpu.memory_space<semaphore_mem>>) src(%arg16 : memref<128x16xf32, #tpu.memory_space<vmem>>) dst(%dma_wait3A_67 : memref<10240x16xf32, #tpu.memory_space<vmem_shared>>)
        tpu.yield
      }) : () -> ()
      "tpu.region"() ({
        %run_scoped3A = tpu.sem_alloc : memref<!tpu.dma_semaphore, #tpu.memory_space<semaphore_mem>>
        %dma_start3A_62 = arith.constant 0 : i32
        %dma_start3A_63 = arith.constant 0 : i32
        %dma_start3A_64 = tpu.memref_slice %arg17[%dma_start3A_62, %dma_start3A_63] : memref<10240x128xf32, #tpu.memory_space<vmem_shared>> -> memref<10240x128xf32, #tpu.memory_space<vmem_shared>>
        tpu.enqueue_indirect_dma source(%arg15 : memref<128x128xf32, #tpu.memory_space<vmem>>) target(%dma_start3A_64 : memref<10240x128xf32, #tpu.memory_space<vmem_shared>>) offsets(%arg12 : memref<128xi32, #tpu.memory_space<vmem>>) semaphore(%run_scoped3A : memref<!tpu.dma_semaphore, #tpu.memory_space<semaphore_mem>>) {add = true}
        %dma_wait3A_65 = arith.constant 0 : i32
        %dma_wait3A_66 = arith.constant 0 : i32
        %dma_wait3A_67 = tpu.memref_slice %arg17[%dma_wait3A_65, %dma_wait3A_66] : memref<10240x128xf32, #tpu.memory_space<vmem_shared>> -> memref<10240x128xf32, #tpu.memory_space<vmem_shared>>
        tpu.wait_indirect_dma semaphore(%run_scoped3A : memref<!tpu.dma_semaphore, #tpu.memory_space<semaphore_mem>>) src(%arg15 : memref<128x128xf32, #tpu.memory_space<vmem>>) dst(%dma_wait3A_67 : memref<10240x128xf32, #tpu.memory_space<vmem_shared>>)
        tpu.yield
      }) : () -> ()
    }
    %while3A_33 = arith.constant 1 : i32
    scf.for %while3A_35 = %while3A_31 to %while3A_27 step %while3A_33  : i32 {
      %mul3A_36 = arith.constant 32 : i32
      %mul3A_37 = arith.muli %while3A_35, %mul3A_36 : i32
      %add3A_38 = arith.addi %add3A, %mul3A_37 : i32
      %mul3A_39 = arith.constant 128 : i32
      %mul3A_40 = arith.muli %add3A_38, %mul3A_39 : i32
      "tpu.region"() ({
        %run_scoped3A = tpu.sem_alloc : memref<!tpu.dma_semaphore, #tpu.memory_space<semaphore_mem>>
        %dma_start3A_62 = tpu.memref_slice %arg5[%mul3A_40] : memref<320000xi32, #tpu.memory_space<hbm>> -> memref<128xi32, #tpu.memory_space<hbm>>
        %dma_start3A_63 = tpu.memref_slice %arg5[%mul3A_40] : memref<320000xi32, #tpu.memory_space<hbm>> -> memref<128xi32, #tpu.memory_space<hbm>>
        tpu.enqueue_dma source(%dma_start3A_63 : memref<128xi32, #tpu.memory_space<hbm>>) target(%arg11 : memref<128xi32, #tpu.memory_space<vmem>>) target_semaphore(%run_scoped3A : memref<!tpu.dma_semaphore, #tpu.memory_space<semaphore_mem>>)
        %dma_wait3A_64 = tpu.memref_slice %arg5[%mul3A_40] : memref<320000xi32, #tpu.memory_space<hbm>> -> memref<128xi32, #tpu.memory_space<hbm>>
        %dma_wait3A_65 = tpu.memref_slice %arg5[%mul3A_40] : memref<320000xi32, #tpu.memory_space<hbm>> -> memref<128xi32, #tpu.memory_space<hbm>>
        tpu.wait_dma2 semaphore(%run_scoped3A : memref<!tpu.dma_semaphore, #tpu.memory_space<semaphore_mem>>) src(%dma_wait3A_65 : memref<128xi32, #tpu.memory_space<hbm>>) dst(%arg11 : memref<128xi32, #tpu.memory_space<vmem>>)
        tpu.yield
      }) : () -> ()
      "tpu.region"() ({
        %run_scoped3A = tpu.sem_alloc : memref<!tpu.dma_semaphore, #tpu.memory_space<semaphore_mem>>
        %dma_start3A_62 = tpu.memref_slice %arg6[%mul3A_40] : memref<320000xi32, #tpu.memory_space<hbm>> -> memref<128xi32, #tpu.memory_space<hbm>>
        %dma_start3A_63 = tpu.memref_slice %arg6[%mul3A_40] : memref<320000xi32, #tpu.memory_space<hbm>> -> memref<128xi32, #tpu.memory_space<hbm>>
        tpu.enqueue_dma source(%dma_start3A_63 : memref<128xi32, #tpu.memory_space<hbm>>) target(%arg12 : memref<128xi32, #tpu.memory_space<vmem>>) target_semaphore(%run_scoped3A : memref<!tpu.dma_semaphore, #tpu.memory_space<semaphore_mem>>)
        %dma_wait3A_64 = tpu.memref_slice %arg6[%mul3A_40] : memref<320000xi32, #tpu.memory_space<hbm>> -> memref<128xi32, #tpu.memory_space<hbm>>
        %dma_wait3A_65 = tpu.memref_slice %arg6[%mul3A_40] : memref<320000xi32, #tpu.memory_space<hbm>> -> memref<128xi32, #tpu.memory_space<hbm>>
        tpu.wait_dma2 semaphore(%run_scoped3A : memref<!tpu.dma_semaphore, #tpu.memory_space<semaphore_mem>>) src(%dma_wait3A_65 : memref<128xi32, #tpu.memory_space<hbm>>) dst(%arg12 : memref<128xi32, #tpu.memory_space<vmem>>)
        tpu.yield
      }) : () -> ()
      %dma_start3A = arith.constant 0 : i32
      %dma_start3A_41 = arith.constant 0 : i32
      %dma_start3A_42 = tpu.memref_slice %arg3[%dma_start3A, %dma_start3A_41] : memref<10000x16xf32, #tpu.memory_space<hbm>> -> memref<10000x16xf32, #tpu.memory_space<hbm>>
      tpu.enqueue_indirect_dma source(%dma_start3A_42 : memref<10000x16xf32, #tpu.memory_space<hbm>>) target(%arg13 : memref<128x16xf32, #tpu.memory_space<vmem>>) offsets(%arg11 : memref<128xi32, #tpu.memory_space<vmem>>) semaphore(%arg19 : memref<!tpu.dma_semaphore, #tpu.memory_space<semaphore_mem>>)
      %dma_start3A_43 = arith.constant 0 : i32
      %dma_start3A_44 = arith.constant 0 : i32
      %dma_start3A_45 = tpu.memref_slice %arg4[%dma_start3A_43, %dma_start3A_44] : memref<10000x16xf32, #tpu.memory_space<hbm>> -> memref<10000x16xf32, #tpu.memory_space<hbm>>
      tpu.enqueue_indirect_dma source(%dma_start3A_45 : memref<10000x16xf32, #tpu.memory_space<hbm>>) target(%arg14 : memref<128x16xf32, #tpu.memory_space<vmem>>) offsets(%arg12 : memref<128xi32, #tpu.memory_space<vmem>>) semaphore(%arg20 : memref<!tpu.dma_semaphore, #tpu.memory_space<semaphore_mem>>)
      %dma_start3A_46 = arith.constant 0 : i32
      %dma_start3A_47 = arith.constant 0 : i32
      %dma_start3A_48 = tpu.memref_slice %arg2[%dma_start3A_46, %dma_start3A_47] : memref<10000x128xf32, #tpu.memory_space<hbm>> -> memref<10000x128xf32, #tpu.memory_space<hbm>>
      tpu.enqueue_indirect_dma source(%dma_start3A_48 : memref<10000x128xf32, #tpu.memory_space<hbm>>) target(%arg15 : memref<128x128xf32, #tpu.memory_space<vmem>>) offsets(%arg11 : memref<128xi32, #tpu.memory_space<vmem>>) semaphore(%arg21 : memref<!tpu.dma_semaphore, #tpu.memory_space<semaphore_mem>>)
      %dma_wait3A = arith.constant 0 : i32
      %dma_wait3A_49 = arith.constant 0 : i32
      %dma_wait3A_50 = tpu.memref_slice %arg3[%dma_wait3A, %dma_wait3A_49] : memref<10000x16xf32, #tpu.memory_space<hbm>> -> memref<10000x16xf32, #tpu.memory_space<hbm>>
      tpu.wait_indirect_dma semaphore(%arg19 : memref<!tpu.dma_semaphore, #tpu.memory_space<semaphore_mem>>) src(%dma_wait3A_50 : memref<10000x16xf32, #tpu.memory_space<hbm>>) dst(%arg13 : memref<128x16xf32, #tpu.memory_space<vmem>>)
      %dma_wait3A_51 = arith.constant 0 : i32
      %dma_wait3A_52 = arith.constant 0 : i32
      %dma_wait3A_53 = tpu.memref_slice %arg4[%dma_wait3A_51, %dma_wait3A_52] : memref<10000x16xf32, #tpu.memory_space<hbm>> -> memref<10000x16xf32, #tpu.memory_space<hbm>>
      tpu.wait_indirect_dma semaphore(%arg20 : memref<!tpu.dma_semaphore, #tpu.memory_space<semaphore_mem>>) src(%dma_wait3A_53 : memref<10000x16xf32, #tpu.memory_space<hbm>>) dst(%arg14 : memref<128x16xf32, #tpu.memory_space<vmem>>)
      %dma_wait3A_54 = arith.constant 0 : i32
      %dma_wait3A_55 = arith.constant 0 : i32
      %dma_wait3A_56 = tpu.memref_slice %arg2[%dma_wait3A_54, %dma_wait3A_55] : memref<10000x128xf32, #tpu.memory_space<hbm>> -> memref<10000x128xf32, #tpu.memory_space<hbm>>
      tpu.wait_indirect_dma semaphore(%arg21 : memref<!tpu.dma_semaphore, #tpu.memory_space<semaphore_mem>>) src(%dma_wait3A_56 : memref<10000x128xf32, #tpu.memory_space<hbm>>) dst(%arg15 : memref<128x128xf32, #tpu.memory_space<vmem>>)
      %scan3A = arith.constant 0 : i32
      %scan3A_57 = arith.constant 0 : i32
      %scan3A_58 = arith.constant 128 : i32
      %scan3A_59 = arith.addi %scan3A_57, %scan3A_58 : i32
      %scan3A_60 = arith.constant 1 : i32
      scf.for %scan3A_62 = %scan3A_57 to %scan3A_59 step %scan3A_60  : i32 {
        %get3A = arith.index_cast %scan3A_62 : i32 to index
        %get3A_63 = arith.constant 0 : index
        %get3A_64 = tpu.vector_load %arg13[%get3A, %get3A_63] {strides = array<i32>} : memref<128x16xf32, #tpu.memory_space<vmem>>, vector<1x16xf32>,
        %get3A_65 = vector.shape_cast %get3A_64 : vector<1x16xf32> to vector<16xf32>
        %get3A_66 = arith.index_cast %scan3A_62 : i32 to index
        %get3A_67 = arith.constant 0 : index
        %get3A_68 = tpu.vector_load %arg14[%get3A_66, %get3A_67] {strides = array<i32>} : memref<128x16xf32, #tpu.memory_space<vmem>>, vector<1x16xf32>,
        %get3A_69 = vector.shape_cast %get3A_68 : vector<1x16xf32> to vector<16xf32>
        %add3A_70 = arith.addf %get3A_65, %get3A_69 : vector<16xf32>
        %gt3A = arith.constant 0.000000e+00 : f32
        %gt3A_71 = vector.broadcast %gt3A : f32 to vector<16xf32>
        %gt3A_72 = arith.cmpf ogt, %add3A_70, %gt3A_71 : vector<16xf32>
        %mul3A_73 = arith.constant 2.000000e-01 : f32
        %mul3A_74 = vector.broadcast %mul3A_73 : f32 to vector<16xf32>
        %mul3A_75 = arith.mulf %mul3A_74, %add3A_70 : vector<16xf32>
        %select_n3A_76 = arith.select %gt3A_72, %add3A_70, %mul3A_75 : vector<16xi1>, vector<16xf32>
        %exp3A = math.exp %select_n3A_76 : vector<16xf32>
        %swap3A = arith.index_cast %scan3A_62 : i32 to index
        %swap3A_77 = arith.constant 0 : index
        %swap3A_78 = tpu.vector_load %arg16[%swap3A, %swap3A_77] {strides = array<i32>} : memref<128x16xf32, #tpu.memory_space<vmem>>, vector<1x16xf32>,
        %swap3A_79 = vector.shape_cast %swap3A_78 : vector<1x16xf32> to vector<16xf32>
        %swap3A_80 = vector.shape_cast %exp3A : vector<16xf32> to vector<1x16xf32>
        tpu.vector_store %arg16[%swap3A, %swap3A_77], %swap3A_80 {strides = array<i32>} : memref<128x16xf32, #tpu.memory_space<vmem>>, vector<1x16xf32>,
        %broadcast_in_dim3A = arith.constant 0 : i32
        %broadcast_in_dim3A_81 = vector.broadcast %broadcast_in_dim3A : i32 to vector<16x1xi32>
        %gather3A = vector.shape_cast %broadcast_in_dim3A_81 : vector<16x1xi32> to vector<16xi32>
        %gather3A_82 = tpu.dynamic_gather %exp3A[%gather3A] in [0] : vector<16xf32>, vector<16xi32> -> vector<16xf32>
        %get3A_83 = arith.index_cast %scan3A_62 : i32 to index
        %get3A_84 = arith.constant 0 : index
        %get3A_85 = tpu.vector_load %arg15[%get3A_83, %get3A_84] {strides = array<i32>} : memref<128x128xf32, #tpu.memory_space<vmem>>, vector<1x16xf32>,
        %get3A_86 = vector.shape_cast %get3A_85 : vector<1x16xf32> to vector<16xf32>
        %mul3A_87 = arith.mulf %get3A_86, %gather3A_82 : vector<16xf32>
        %swap3A_88 = arith.index_cast %scan3A_62 : i32 to index
        %swap3A_89 = arith.constant 0 : index
        %swap3A_90 = tpu.vector_load %arg15[%swap3A_88, %swap3A_89] {strides = array<i32>} : memref<128x128xf32, #tpu.memory_space<vmem>>, vector<1x16xf32>,
        %swap3A_91 = vector.shape_cast %swap3A_90 : vector<1x16xf32> to vector<16xf32>
        %swap3A_92 = vector.shape_cast %mul3A_87 : vector<16xf32> to vector<1x16xf32>
        tpu.vector_store %arg15[%swap3A_88, %swap3A_89], %swap3A_92 {strides = array<i32>} : memref<128x128xf32, #tpu.memory_space<vmem>>, vector<1x16xf32>,
        %broadcast_in_dim3A_93 = arith.constant 1 : i32
        %broadcast_in_dim3A_94 = vector.broadcast %broadcast_in_dim3A_93 : i32 to vector<16x1xi32>
        %gather3A_95 = vector.shape_cast %broadcast_in_dim3A_94 : vector<16x1xi32> to vector<16xi32>
        %gather3A_96 = tpu.dynamic_gather %exp3A[%gather3A_95] in [0] : vector<16xf32>, vector<16xi32> -> vector<16xf32>
        %get3A_97 = arith.index_cast %scan3A_62 : i32 to index
        %get3A_98 = arith.constant 16 : index
        %get3A_99 = tpu.vector_load %arg15[%get3A_97, %get3A_98] {strides = array<i32>} : memref<128x128xf32, #tpu.memory_space<vmem>>, vector<1x16xf32>,
        %get3A_100 = vector.shape_cast %get3A_99 : vector<1x16xf32> to vector<16xf32>
        %mul3A_101 = arith.mulf %get3A_100, %gather3A_96 : vector<16xf32>
        %swap3A_102 = arith.index_cast %scan3A_62 : i32 to index
        %swap3A_103 = arith.constant 16 : index
        %swap3A_104 = tpu.vector_load %arg15[%swap3A_102, %swap3A_103] {strides = array<i32>} : memref<128x128xf32, #tpu.memory_space<vmem>>, vector<1x16xf32>,
        %swap3A_105 = vector.shape_cast %swap3A_104 : vector<1x16xf32> to vector<16xf32>
        %swap3A_106 = vector.shape_cast %mul3A_101 : vector<16xf32> to vector<1x16xf32>
        tpu.vector_store %arg15[%swap3A_102, %swap3A_103], %swap3A_106 {strides = array<i32>} : memref<128x128xf32, #tpu.memory_space<vmem>>, vector<1x16xf32>,
        %broadcast_in_dim3A_107 = arith.constant 2 : i32
        %broadcast_in_dim3A_108 = vector.broadcast %broadcast_in_dim3A_107 : i32 to vector<16x1xi32>
        %gather3A_109 = vector.shape_cast %broadcast_in_dim3A_108 : vector<16x1xi32> to vector<16xi32>
        %gather3A_110 = tpu.dynamic_gather %exp3A[%gather3A_109] in [0] : vector<16xf32>, vector<16xi32> -> vector<16xf32>
        %get3A_111 = arith.index_cast %scan3A_62 : i32 to index
        %get3A_112 = arith.constant 32 : index
        %get3A_113 = tpu.vector_load %arg15[%get3A_111, %get3A_112] {strides = array<i32>} : memref<128x128xf32, #tpu.memory_space<vmem>>, vector<1x16xf32>,
        %get3A_114 = vector.shape_cast %get3A_113 : vector<1x16xf32> to vector<16xf32>
        %mul3A_115 = arith.mulf %get3A_114, %gather3A_110 : vector<16xf32>
        %swap3A_116 = arith.index_cast %scan3A_62 : i32 to index
        %swap3A_117 = arith.constant 32 : index
        %swap3A_118 = tpu.vector_load %arg15[%swap3A_116, %swap3A_117] {strides = array<i32>} : memref<128x128xf32, #tpu.memory_space<vmem>>, vector<1x16xf32>,
        %swap3A_119 = vector.shape_cast %swap3A_118 : vector<1x16xf32> to vector<16xf32>
        %swap3A_120 = vector.shape_cast %mul3A_115 : vector<16xf32> to vector<1x16xf32>
        tpu.vector_store %arg15[%swap3A_116, %swap3A_117], %swap3A_120 {strides = array<i32>} : memref<128x128xf32, #tpu.memory_space<vmem>>, vector<1x16xf32>,
        %broadcast_in_dim3A_121 = arith.constant 3 : i32
        %broadcast_in_dim3A_122 = vector.broadcast %broadcast_in_dim3A_121 : i32 to vector<16x1xi32>
        %gather3A_123 = vector.shape_cast %broadcast_in_dim3A_122 : vector<16x1xi32> to vector<16xi32>
        %gather3A_124 = tpu.dynamic_gather %exp3A[%gather3A_123] in [0] : vector<16xf32>, vector<16xi32> -> vector<16xf32>
        %get3A_125 = arith.index_cast %scan3A_62 : i32 to index
        %get3A_126 = arith.constant 48 : index
        %get3A_127 = tpu.vector_load %arg15[%get3A_125, %get3A_126] {strides = array<i32>} : memref<128x128xf32, #tpu.memory_space<vmem>>, vector<1x16xf32>,
        %get3A_128 = vector.shape_cast %get3A_127 : vector<1x16xf32> to vector<16xf32>
        %mul3A_129 = arith.mulf %get3A_128, %gather3A_124 : vector<16xf32>
        %swap3A_130 = arith.index_cast %scan3A_62 : i32 to index
        %swap3A_131 = arith.constant 48 : index
        %swap3A_132 = tpu.vector_load %arg15[%swap3A_130, %swap3A_131] {strides = array<i32>} : memref<128x128xf32, #tpu.memory_space<vmem>>, vector<1x16xf32>,
        %swap3A_133 = vector.shape_cast %swap3A_132 : vector<1x16xf32> to vector<16xf32>
        %swap3A_134 = vector.shape_cast %mul3A_129 : vector<16xf32> to vector<1x16xf32>
        tpu.vector_store %arg15[%swap3A_130, %swap3A_131], %swap3A_134 {strides = array<i32>} : memref<128x128xf32, #tpu.memory_space<vmem>>, vector<1x16xf32>,
        %broadcast_in_dim3A_135 = arith.constant 4 : i32
        %broadcast_in_dim3A_136 = vector.broadcast %broadcast_in_dim3A_135 : i32 to vector<16x1xi32>
        %gather3A_137 = vector.shape_cast %broadcast_in_dim3A_136 : vector<16x1xi32> to vector<16xi32>
        %gather3A_138 = tpu.dynamic_gather %exp3A[%gather3A_137] in [0] : vector<16xf32>, vector<16xi32> -> vector<16xf32>
        %get3A_139 = arith.index_cast %scan3A_62 : i32 to index
        %get3A_140 = arith.constant 64 : index
        %get3A_141 = tpu.vector_load %arg15[%get3A_139, %get3A_140] {strides = array<i32>} : memref<128x128xf32, #tpu.memory_space<vmem>>, vector<1x16xf32>,
        %get3A_142 = vector.shape_cast %get3A_141 : vector<1x16xf32> to vector<16xf32>
        %mul3A_143 = arith.mulf %get3A_142, %gather3A_138 : vector<16xf32>
        %swap3A_144 = arith.index_cast %scan3A_62 : i32 to index
        %swap3A_145 = arith.constant 64 : index
        %swap3A_146 = tpu.vector_load %arg15[%swap3A_144, %swap3A_145] {strides = array<i32>} : memref<128x128xf32, #tpu.memory_space<vmem>>, vector<1x16xf32>,
        %swap3A_147 = vector.shape_cast %swap3A_146 : vector<1x16xf32> to vector<16xf32>
        %swap3A_148 = vector.shape_cast %mul3A_143 : vector<16xf32> to vector<1x16xf32>
        tpu.vector_store %arg15[%swap3A_144, %swap3A_145], %swap3A_148 {strides = array<i32>} : memref<128x128xf32, #tpu.memory_space<vmem>>, vector<1x16xf32>,
        %broadcast_in_dim3A_149 = arith.constant 5 : i32
        %broadcast_in_dim3A_150 = vector.broadcast %broadcast_in_dim3A_149 : i32 to vector<16x1xi32>
        %gather3A_151 = vector.shape_cast %broadcast_in_dim3A_150 : vector<16x1xi32> to vector<16xi32>
        %gather3A_152 = tpu.dynamic_gather %exp3A[%gather3A_151] in [0] : vector<16xf32>, vector<16xi32> -> vector<16xf32>
        %get3A_153 = arith.index_cast %scan3A_62 : i32 to index
        %get3A_154 = arith.constant 80 : index
        %get3A_155 = tpu.vector_load %arg15[%get3A_153, %get3A_154] {strides = array<i32>} : memref<128x128xf32, #tpu.memory_space<vmem>>, vector<1x16xf32>,
        %get3A_156 = vector.shape_cast %get3A_155 : vector<1x16xf32> to vector<16xf32>
        %mul3A_157 = arith.mulf %get3A_156, %gather3A_152 : vector<16xf32>
        %swap3A_158 = arith.index_cast %scan3A_62 : i32 to index
        %swap3A_159 = arith.constant 80 : index
        %swap3A_160 = tpu.vector_load %arg15[%swap3A_158, %swap3A_159] {strides = array<i32>} : memref<128x128xf32, #tpu.memory_space<vmem>>, vector<1x16xf32>,
        %swap3A_161 = vector.shape_cast %swap3A_160 : vector<1x16xf32> to vector<16xf32>
        %swap3A_162 = vector.shape_cast %mul3A_157 : vector<16xf32> to vector<1x16xf32>
        tpu.vector_store %arg15[%swap3A_158, %swap3A_159], %swap3A_162 {strides = array<i32>} : memref<128x128xf32, #tpu.memory_space<vmem>>, vector<1x16xf32>,
        %broadcast_in_dim3A_163 = arith.constant 6 : i32
        %broadcast_in_dim3A_164 = vector.broadcast %broadcast_in_dim3A_163 : i32 to vector<16x1xi32>
        %gather3A_165 = vector.shape_cast %broadcast_in_dim3A_164 : vector<16x1xi32> to vector<16xi32>
        %gather3A_166 = tpu.dynamic_gather %exp3A[%gather3A_165] in [0] : vector<16xf32>, vector<16xi32> -> vector<16xf32>
        %get3A_167 = arith.index_cast %scan3A_62 : i32 to index
        %get3A_168 = arith.constant 96 : index
        %get3A_169 = tpu.vector_load %arg15[%get3A_167, %get3A_168] {strides = array<i32>} : memref<128x128xf32, #tpu.memory_space<vmem>>, vector<1x16xf32>,
        %get3A_170 = vector.shape_cast %get3A_169 : vector<1x16xf32> to vector<16xf32>
        %mul3A_171 = arith.mulf %get3A_170, %gather3A_166 : vector<16xf32>
        %swap3A_172 = arith.index_cast %scan3A_62 : i32 to index
        %swap3A_173 = arith.constant 96 : index
        %swap3A_174 = tpu.vector_load %arg15[%swap3A_172, %swap3A_173] {strides = array<i32>} : memref<128x128xf32, #tpu.memory_space<vmem>>, vector<1x16xf32>,
        %swap3A_175 = vector.shape_cast %swap3A_174 : vector<1x16xf32> to vector<16xf32>
        %swap3A_176 = vector.shape_cast %mul3A_171 : vector<16xf32> to vector<1x16xf32>
        tpu.vector_store %arg15[%swap3A_172, %swap3A_173], %swap3A_176 {strides = array<i32>} : memref<128x128xf32, #tpu.memory_space<vmem>>, vector<1x16xf32>,
        %broadcast_in_dim3A_177 = arith.constant 7 : i32
        %broadcast_in_dim3A_178 = vector.broadcast %broadcast_in_dim3A_177 : i32 to vector<16x1xi32>
        %gather3A_179 = vector.shape_cast %broadcast_in_dim3A_178 : vector<16x1xi32> to vector<16xi32>
        %gather3A_180 = tpu.dynamic_gather %exp3A[%gather3A_179] in [0] : vector<16xf32>, vector<16xi32> -> vector<16xf32>
        %get3A_181 = arith.index_cast %scan3A_62 : i32 to index
        %get3A_182 = arith.constant 112 : index
        %get3A_183 = tpu.vector_load %arg15[%get3A_181, %get3A_182] {strides = array<i32>} : memref<128x128xf32, #tpu.memory_space<vmem>>, vector<1x16xf32>,
        %get3A_184 = vector.shape_cast %get3A_183 : vector<1x16xf32> to vector<16xf32>
        %mul3A_185 = arith.mulf %get3A_184, %gather3A_180 : vector<16xf32>
        %swap3A_186 = arith.index_cast %scan3A_62 : i32 to index
        %swap3A_187 = arith.constant 112 : index
        %swap3A_188 = tpu.vector_load %arg15[%swap3A_186, %swap3A_187] {strides = array<i32>} : memref<128x128xf32, #tpu.memory_space<vmem>>, vector<1x16xf32>,
        %swap3A_189 = vector.shape_cast %swap3A_188 : vector<1x16xf32> to vector<16xf32>
        %swap3A_190 = vector.shape_cast %mul3A_185 : vector<16xf32> to vector<1x16xf32>
        tpu.vector_store %arg15[%swap3A_186, %swap3A_187], %swap3A_190 {strides = array<i32>} : memref<128x128xf32, #tpu.memory_space<vmem>>, vector<1x16xf32>,
      }
      %scan3A_61 = arith.constant 128 : i32
      "tpu.region"() ({
        %run_scoped3A = tpu.sem_alloc : memref<!tpu.dma_semaphore, #tpu.memory_space<semaphore_mem>>
        %dma_start3A_62 = arith.constant 0 : i32
        %dma_start3A_63 = arith.constant 0 : i32
        %dma_start3A_64 = tpu.memref_slice %arg18[%dma_start3A_62, %dma_start3A_63] : memref<10240x16xf32, #tpu.memory_space<vmem_shared>> -> memref<10240x16xf32, #tpu.memory_space<vmem_shared>>
        tpu.enqueue_indirect_dma source(%arg16 : memref<128x16xf32, #tpu.memory_space<vmem>>) target(%dma_start3A_64 : memref<10240x16xf32, #tpu.memory_space<vmem_shared>>) offsets(%arg12 : memref<128xi32, #tpu.memory_space<vmem>>) semaphore(%run_scoped3A : memref<!tpu.dma_semaphore, #tpu.memory_space<semaphore_mem>>) {add = true}
        %dma_wait3A_65 = arith.constant 0 : i32
        %dma_wait3A_66 = arith.constant 0 : i32
        %dma_wait3A_67 = tpu.memref_slice %arg18[%dma_wait3A_65, %dma_wait3A_66] : memref<10240x16xf32, #tpu.memory_space<vmem_shared>> -> memref<10240x16xf32, #tpu.memory_space<vmem_shared>>
        tpu.wait_indirect_dma semaphore(%run_scoped3A : memref<!tpu.dma_semaphore, #tpu.memory_space<semaphore_mem>>) src(%arg16 : memref<128x16xf32, #tpu.memory_space<vmem>>) dst(%dma_wait3A_67 : memref<10240x16xf32, #tpu.memory_space<vmem_shared>>)
        tpu.yield
      }) : () -> ()
      "tpu.region"() ({
        %run_scoped3A = tpu.sem_alloc : memref<!tpu.dma_semaphore, #tpu.memory_space<semaphore_mem>>
        %dma_start3A_62 = arith.constant 0 : i32
        %dma_start3A_63 = arith.constant 0 : i32
        %dma_start3A_64 = tpu.memref_slice %arg17[%dma_start3A_62, %dma_start3A_63] : memref<10240x128xf32, #tpu.memory_space<vmem_shared>> -> memref<10240x128xf32, #tpu.memory_space<vmem_shared>>
        tpu.enqueue_indirect_dma source(%arg15 : memref<128x128xf32, #tpu.memory_space<vmem>>) target(%dma_start3A_64 : memref<10240x128xf32, #tpu.memory_space<vmem_shared>>) offsets(%arg12 : memref<128xi32, #tpu.memory_space<vmem>>) semaphore(%run_scoped3A : memref<!tpu.dma_semaphore, #tpu.memory_space<semaphore_mem>>) {add = true}
        %dma_wait3A_65 = arith.constant 0 : i32
        %dma_wait3A_66 = arith.constant 0 : i32
        %dma_wait3A_67 = tpu.memref_slice %arg17[%dma_wait3A_65, %dma_wait3A_66] : memref<10240x128xf32, #tpu.memory_space<vmem_shared>> -> memref<10240x128xf32, #tpu.memory_space<vmem_shared>>
        tpu.wait_indirect_dma semaphore(%run_scoped3A : memref<!tpu.dma_semaphore, #tpu.memory_space<semaphore_mem>>) src(%arg15 : memref<128x128xf32, #tpu.memory_space<vmem>>) dst(%dma_wait3A_67 : memref<10240x128xf32, #tpu.memory_space<vmem_shared>>)
        tpu.yield
      }) : () -> ()
    }
    %barrier3A_34 = arith.constant 0 : index
    tpu.barrier barrier_id(%barrier3A_34)
    "tpu.region"() ({
      %run_scoped3A = tpu.sem_alloc : memref<!tpu.dma_semaphore, #tpu.memory_space<semaphore_mem>>
      %dma_start3A = arith.constant 0 : i32
      %dma_start3A_35 = tpu.memref_slice %arg9[%arg0, %mul3A_2, %dma_start3A] : memref<2x10240x128xf32, #tpu.memory_space<hbm>> -> memref<1x640x128xf32, #tpu.memory_space<hbm>>
      %dma_start3A_36 = tpu.memref_squeeze %dma_start3A_35 : memref<1x640x128xf32, #tpu.memory_space<hbm>> -> memref<640x128xf32, #tpu.memory_space<hbm>>
      %dma_start3A_37 = arith.constant 0 : i32
      %dma_start3A_38 = tpu.memref_slice %arg17[%mul3A_2, %dma_start3A_37] : memref<10240x128xf32, #tpu.memory_space<vmem_shared>> -> memref<640x128xf32, #tpu.memory_space<vmem_shared>>
      tpu.enqueue_dma source(%dma_start3A_38 : memref<640x128xf32, #tpu.memory_space<vmem_shared>>) target(%dma_start3A_36 : memref<640x128xf32, #tpu.memory_space<hbm>>) target_semaphore(%run_scoped3A : memref<!tpu.dma_semaphore, #tpu.memory_space<semaphore_mem>>)
      %dma_wait3A = arith.constant 0 : i32
      %dma_wait3A_39 = tpu.memref_slice %arg9[%arg0, %mul3A_2, %dma_wait3A] : memref<2x10240x128xf32, #tpu.memory_space<hbm>> -> memref<1x640x128xf32, #tpu.memory_space<hbm>>
      %dma_wait3A_40 = tpu.memref_squeeze %dma_wait3A_39 : memref<1x640x128xf32, #tpu.memory_space<hbm>> -> memref<640x128xf32, #tpu.memory_space<hbm>>
      %dma_wait3A_41 = arith.constant 0 : i32
      %dma_wait3A_42 = tpu.memref_slice %arg17[%mul3A_2, %dma_wait3A_41] : memref<10240x128xf32, #tpu.memory_space<vmem_shared>> -> memref<640x128xf32, #tpu.memory_space<vmem_shared>>
      tpu.wait_dma2 semaphore(%run_scoped3A : memref<!tpu.dma_semaphore, #tpu.memory_space<semaphore_mem>>) src(%dma_wait3A_42 : memref<640x128xf32, #tpu.memory_space<vmem_shared>>) dst(%dma_wait3A_40 : memref<640x128xf32, #tpu.memory_space<hbm>>)
      tpu.yield
    }) : () -> ()
    "tpu.region"() ({
      %run_scoped3A = tpu.sem_alloc : memref<!tpu.dma_semaphore, #tpu.memory_space<semaphore_mem>>
      %dma_start3A = arith.constant 0 : i32
      %dma_start3A_35 = tpu.memref_slice %arg10[%arg0, %mul3A_2, %dma_start3A] : memref<2x10240x16xf32, #tpu.memory_space<hbm>> -> memref<1x640x16xf32, #tpu.memory_space<hbm>>
      %dma_start3A_36 = tpu.memref_squeeze %dma_start3A_35 : memref<1x640x16xf32, #tpu.memory_space<hbm>> -> memref<640x16xf32, #tpu.memory_space<hbm>>
      %dma_start3A_37 = arith.constant 0 : i32
      %dma_start3A_38 = tpu.memref_slice %arg18[%mul3A_2, %dma_start3A_37] : memref<10240x16xf32, #tpu.memory_space<vmem_shared>> -> memref<640x16xf32, #tpu.memory_space<vmem_shared>>
      tpu.enqueue_dma source(%dma_start3A_38 : memref<640x16xf32, #tpu.memory_space<vmem_shared>>) target(%dma_start3A_36 : memref<640x16xf32, #tpu.memory_space<hbm>>) target_semaphore(%run_scoped3A : memref<!tpu.dma_semaphore, #tpu.memory_space<semaphore_mem>>)
      %dma_wait3A = arith.constant 0 : i32
      %dma_wait3A_39 = tpu.memref_slice %arg10[%arg0, %mul3A_2, %dma_wait3A] : memref<2x10240x16xf32, #tpu.memory_space<hbm>> -> memref<1x640x16xf32, #tpu.memory_space<hbm>>
      %dma_wait3A_40 = tpu.memref_squeeze %dma_wait3A_39 : memref<1x640x16xf32, #tpu.memory_space<hbm>> -> memref<640x16xf32, #tpu.memory_space<hbm>>
      %dma_wait3A_41 = arith.constant 0 : i32
      %dma_wait3A_42 = tpu.memref_slice %arg18[%mul3A_2, %dma_wait3A_41] : memref<10240x16xf32, #tpu.memory_space<vmem_shared>> -> memref<640x16xf32, #tpu.memory_space<vmem_shared>>
      tpu.wait_dma2 semaphore(%run_scoped3A : memref<!tpu.dma_semaphore, #tpu.memory_space<semaphore_mem>>) src(%dma_wait3A_42 : memref<640x16xf32, #tpu.memory_space<vmem_shared>>) dst(%dma_wait3A_40 : memref<640x16xf32, #tpu.memory_space<hbm>>)
      tpu.yield
    }) : () -> ()
    return
  }
}

module attributes {stable_mosaic.version = 14 : i64} {
  func.func @_prep_body(%arg0: i32, %arg1: memref<400x128xf32, #tpu.memory_space<vmem>>, %arg2: memref<400x128xf32, #tpu.memory_space<vmem>>, %arg3: memref<128x128xf32, #tpu.memory_space<vmem>>, %arg4: memref<128x128xf32, #tpu.memory_space<vmem>>, %arg5: memref<1x64xf32, #tpu.memory_space<vmem>>, %arg6: memref<64x256xf32, #tpu.memory_space<vmem>>, %arg7: memref<400x128xf32, #tpu.memory_space<vmem>>, %arg8: memref<400x8xf32, #tpu.memory_space<vmem>>, %arg9: memref<400x8xf32, #tpu.memory_space<vmem>>) attributes {dimension_semantics = [#tpu.dimension_semantics<arbitrary>], iteration_bounds = array<i64: 25>, scalar_prefetch = 0 : i64, scratch_operands = 0 : i64, tpu.core_type = #tpu.core_type<tc>, window_params = [{transform_indices = @transform_0, window_bounds = array<i64: 400, 128>}, {transform_indices = @transform_1, window_bounds = array<i64: 400, 128>}, {pipeline_mode = #tpu.pipeline_mode<synchronous>, transform_indices = @transform_2, window_bounds = array<i64: 128, 128>}, {pipeline_mode = #tpu.pipeline_mode<synchronous>, transform_indices = @transform_3, window_bounds = array<i64: 128, 128>}, {pipeline_mode = #tpu.pipeline_mode<synchronous>, transform_indices = @transform_4, window_bounds = array<i64: 1, 64>}, {pipeline_mode = #tpu.pipeline_mode<synchronous>, transform_indices = @transform_5, window_bounds = array<i64: 64, 256>}, {transform_indices = @transform_6, window_bounds = array<i64: 400, 128>}, {transform_indices = @transform_7, window_bounds = array<i64: 400, 8>}, {transform_indices = @transform_8, window_bounds = array<i64: 400, 8>}]} {
    %get3A = arith.constant 0 : index
    %get3A_0 = arith.constant 0 : index
    %get3A_1 = vector.load %arg5[%get3A, %get3A_0] : memref<1x64xf32, #tpu.memory_space<vmem>>, vector<1x64xf32>
    %get3A_2 = arith.constant 0 : index
    %get3A_3 = arith.constant 0 : index
    %get3A_4 = vector.load %arg6[%get3A_2, %get3A_3] : memref<64x256xf32, #tpu.memory_space<vmem>>, vector<64x256xf32>
    %dot_general3A = arith.constant dense<0.000000e+00> : vector<1x256xf32>
    %dot_general3A_5 = tpu.matmul %get3A_1, %get3A_4, %dot_general3A {dimension_numbers = #tpu.dot_dimension_numbers<[1], [0], [0], [1], [0, 0, 1, 1], [], []>, transpose_lhs_hint = false} : vector<1x64xf32>, vector<64x256xf32>, vector<1x256xf32> -> vector<1x256xf32>
    %iota3A = tpu.iota {dimensions = array<i32: 0>} : vector<256x128xi32>
    %iota3A_6 = tpu.iota {dimensions = array<i32: 1>} : vector<256x128xi32>
    %jit3A = arith.constant 16 : i32
    %div3A = vector.broadcast %jit3A : i32 to vector<256x128xi32>
    %div3A_7 = arith.divsi %iota3A_6, %div3A : vector<256x128xi32>
    %sign3A = arith.constant 0 : i32
    %sign3A_8 = vector.broadcast %sign3A : i32 to vector<256x128xi32>
    %sign3A_9 = arith.cmpi sgt, %iota3A_6, %sign3A_8 : vector<256x128xi32>
    %sign3A_10 = arith.extui %sign3A_9 : vector<256x128xi1> to vector<256x128xi32>
    %sign3A_11 = arith.constant 0 : i32
    %sign3A_12 = vector.broadcast %sign3A_11 : i32 to vector<256x128xi32>
    %sign3A_13 = arith.cmpi slt, %iota3A_6, %sign3A_12 : vector<256x128xi32>
    %sign3A_14 = arith.extui %sign3A_13 : vector<256x128xi1> to vector<256x128xi32>
    %sign3A_15 = arith.subi %sign3A_10, %sign3A_14 : vector<256x128xi32>
    %sign3A_16 = arith.constant 0 : i32
    %sign3A_17 = arith.cmpi sgt, %jit3A, %sign3A_16 : i32
    %sign3A_18 = arith.extui %sign3A_17 : i1 to i32
    %sign3A_19 = arith.constant 0 : i32
    %sign3A_20 = arith.cmpi slt, %jit3A, %sign3A_19 : i32
    %sign3A_21 = arith.extui %sign3A_20 : i1 to i32
    %sign3A_22 = arith.subi %sign3A_18, %sign3A_21 : i32
    %ne3A = vector.broadcast %sign3A_22 : i32 to vector<256x128xi32>
    %ne3A_23 = arith.cmpi ne, %sign3A_15, %ne3A : vector<256x128xi32>
    %rem3A = vector.broadcast %jit3A : i32 to vector<256x128xi32>
    %rem3A_24 = arith.remsi %iota3A_6, %rem3A : vector<256x128xi32>
    %ne3A_25 = arith.constant 0 : i32
    %ne3A_26 = vector.broadcast %ne3A_25 : i32 to vector<256x128xi32>
    %ne3A_27 = arith.cmpi ne, %rem3A_24, %ne3A_26 : vector<256x128xi32>
    %and3A = arith.andi %ne3A_23, %ne3A_27 : vector<256x128xi1>
    %sub3A = arith.constant 1 : i32
    %sub3A_28 = vector.broadcast %sub3A : i32 to vector<256x128xi32>
    %sub3A_29 = arith.subi %div3A_7, %sub3A_28 : vector<256x128xi32>
    %select_n3A = arith.select %and3A, %sub3A_29, %div3A_7 : vector<256x128xi1>, vector<256x128xi32>
    %mul3A = arith.constant 32 : i32
    %mul3A_30 = vector.broadcast %mul3A : i32 to vector<256x128xi32>
    %mul3A_31 = arith.muli %select_n3A, %mul3A_30 : vector<256x128xi32>
    %jit3A_32 = arith.constant 16 : i32
    %eq3A = arith.constant 0 : i32
    %eq3A_33 = arith.cmpi eq, %jit3A_32, %eq3A : i32
    %jit3A_34 = arith.constant 1 : i32
    %select_n3A_35 = arith.select %eq3A_33, %jit3A_34, %jit3A_32 : i32
    %rem3A_36 = vector.broadcast %select_n3A_35 : i32 to vector<256x128xi32>
    %rem3A_37 = arith.remsi %iota3A_6, %rem3A_36 : vector<256x128xi32>
    %ne3A_38 = arith.constant 0 : i32
    %ne3A_39 = vector.broadcast %ne3A_38 : i32 to vector<256x128xi32>
    %ne3A_40 = arith.cmpi ne, %rem3A_37, %ne3A_39 : vector<256x128xi32>
    %lt3A = arith.constant 0 : i32
    %lt3A_41 = vector.broadcast %lt3A : i32 to vector<256x128xi32>
    %lt3A_42 = arith.cmpi slt, %rem3A_37, %lt3A_41 : vector<256x128xi32>
    %lt3A_43 = arith.constant 0 : i32
    %lt3A_44 = arith.cmpi slt, %select_n3A_35, %lt3A_43 : i32
    %ne3A_45 = vector.broadcast %lt3A_44 : i1 to vector<256x128xi1>
    %ne3A_46 = vector.broadcast %ne3A_45 : vector<256x128xi1> to vector<256x128xi1>
    %ne3A_47 = arith.xori %lt3A_42, %ne3A_46 : vector<256x128xi1>
    %and3A_48 = arith.andi %ne3A_47, %ne3A_40 : vector<256x128xi1>
    %add3A = vector.broadcast %select_n3A_35 : i32 to vector<256x128xi32>
    %add3A_49 = arith.addi %rem3A_37, %add3A : vector<256x128xi32>
    %select_n3A_50 = arith.select %and3A_48, %add3A_49, %rem3A_37 : vector<256x128xi1>, vector<256x128xi32>
    %add3A_51 = arith.addi %mul3A_31, %select_n3A_50 : vector<256x128xi32>
    %eq3A_52 = arith.cmpi eq, %iota3A, %add3A_51 : vector<256x128xi32>
    %convert_element_type3A = arith.extui %eq3A_52 : vector<256x128xi1> to vector<256x128xi32>
    %convert_element_type3A_53 = arith.sitofp %convert_element_type3A : vector<256x128xi32> to vector<256x128xf32>
    %jit3A_54 = arith.constant 16 : i32
    %div3A_55 = vector.broadcast %jit3A_54 : i32 to vector<256x128xi32>
    %div3A_56 = arith.divsi %iota3A_6, %div3A_55 : vector<256x128xi32>
    %sign3A_57 = arith.constant 0 : i32
    %sign3A_58 = vector.broadcast %sign3A_57 : i32 to vector<256x128xi32>
    %sign3A_59 = arith.cmpi sgt, %iota3A_6, %sign3A_58 : vector<256x128xi32>
    %sign3A_60 = arith.extui %sign3A_59 : vector<256x128xi1> to vector<256x128xi32>
    %sign3A_61 = arith.constant 0 : i32
    %sign3A_62 = vector.broadcast %sign3A_61 : i32 to vector<256x128xi32>
    %sign3A_63 = arith.cmpi slt, %iota3A_6, %sign3A_62 : vector<256x128xi32>
    %sign3A_64 = arith.extui %sign3A_63 : vector<256x128xi1> to vector<256x128xi32>
    %sign3A_65 = arith.subi %sign3A_60, %sign3A_64 : vector<256x128xi32>
    %sign3A_66 = arith.constant 0 : i32
    %sign3A_67 = arith.cmpi sgt, %jit3A_54, %sign3A_66 : i32
    %sign3A_68 = arith.extui %sign3A_67 : i1 to i32
    %sign3A_69 = arith.constant 0 : i32
    %sign3A_70 = arith.cmpi slt, %jit3A_54, %sign3A_69 : i32
    %sign3A_71 = arith.extui %sign3A_70 : i1 to i32
    %sign3A_72 = arith.subi %sign3A_68, %sign3A_71 : i32
    %ne3A_73 = vector.broadcast %sign3A_72 : i32 to vector<256x128xi32>
    %ne3A_74 = arith.cmpi ne, %sign3A_65, %ne3A_73 : vector<256x128xi32>
    %rem3A_75 = vector.broadcast %jit3A_54 : i32 to vector<256x128xi32>
    %rem3A_76 = arith.remsi %iota3A_6, %rem3A_75 : vector<256x128xi32>
    %ne3A_77 = arith.constant 0 : i32
    %ne3A_78 = vector.broadcast %ne3A_77 : i32 to vector<256x128xi32>
    %ne3A_79 = arith.cmpi ne, %rem3A_76, %ne3A_78 : vector<256x128xi32>
    %and3A_80 = arith.andi %ne3A_74, %ne3A_79 : vector<256x128xi1>
    %sub3A_81 = arith.constant 1 : i32
    %sub3A_82 = vector.broadcast %sub3A_81 : i32 to vector<256x128xi32>
    %sub3A_83 = arith.subi %div3A_56, %sub3A_82 : vector<256x128xi32>
    %select_n3A_84 = arith.select %and3A_80, %sub3A_83, %div3A_56 : vector<256x128xi1>, vector<256x128xi32>
    %mul3A_85 = arith.constant 32 : i32
    %mul3A_86 = vector.broadcast %mul3A_85 : i32 to vector<256x128xi32>
    %mul3A_87 = arith.muli %select_n3A_84, %mul3A_86 : vector<256x128xi32>
    %add3A_88 = arith.constant 16 : i32
    %add3A_89 = vector.broadcast %add3A_88 : i32 to vector<256x128xi32>
    %add3A_90 = arith.addi %mul3A_87, %add3A_89 : vector<256x128xi32>
    %jit3A_91 = arith.constant 16 : i32
    %eq3A_92 = arith.constant 0 : i32
    %eq3A_93 = arith.cmpi eq, %jit3A_91, %eq3A_92 : i32
    %jit3A_94 = arith.constant 1 : i32
    %select_n3A_95 = arith.select %eq3A_93, %jit3A_94, %jit3A_91 : i32
    %rem3A_96 = vector.broadcast %select_n3A_95 : i32 to vector<256x128xi32>
    %rem3A_97 = arith.remsi %iota3A_6, %rem3A_96 : vector<256x128xi32>
    %ne3A_98 = arith.constant 0 : i32
    %ne3A_99 = vector.broadcast %ne3A_98 : i32 to vector<256x128xi32>
    %ne3A_100 = arith.cmpi ne, %rem3A_97, %ne3A_99 : vector<256x128xi32>
    %lt3A_101 = arith.constant 0 : i32
    %lt3A_102 = vector.broadcast %lt3A_101 : i32 to vector<256x128xi32>
    %lt3A_103 = arith.cmpi slt, %rem3A_97, %lt3A_102 : vector<256x128xi32>
    %lt3A_104 = arith.constant 0 : i32
    %lt3A_105 = arith.cmpi slt, %select_n3A_95, %lt3A_104 : i32
    %ne3A_106 = vector.broadcast %lt3A_105 : i1 to vector<256x128xi1>
    %ne3A_107 = vector.broadcast %ne3A_106 : vector<256x128xi1> to vector<256x128xi1>
    %ne3A_108 = arith.xori %lt3A_103, %ne3A_107 : vector<256x128xi1>
    %and3A_109 = arith.andi %ne3A_108, %ne3A_100 : vector<256x128xi1>
    %add3A_110 = vector.broadcast %select_n3A_95 : i32 to vector<256x128xi32>
    %add3A_111 = arith.addi %rem3A_97, %add3A_110 : vector<256x128xi32>
    %select_n3A_112 = arith.select %and3A_109, %add3A_111, %rem3A_97 : vector<256x128xi1>, vector<256x128xi32>
    %add3A_113 = arith.addi %add3A_90, %select_n3A_112 : vector<256x128xi32>
    %eq3A_114 = arith.cmpi eq, %iota3A, %add3A_113 : vector<256x128xi32>
    %convert_element_type3A_115 = arith.extui %eq3A_114 : vector<256x128xi1> to vector<256x128xi32>
    %convert_element_type3A_116 = arith.sitofp %convert_element_type3A_115 : vector<256x128xi32> to vector<256x128xf32>
    %dot_general3A_117 = arith.constant dense<0.000000e+00> : vector<1x128xf32>
    %dot_general3A_118 = tpu.matmul %dot_general3A_5, %convert_element_type3A_53, %dot_general3A_117 {dimension_numbers = #tpu.dot_dimension_numbers<[1], [0], [0], [1], [0, 0, 1, 1], [], []>, transpose_lhs_hint = false} : vector<1x256xf32>, vector<256x128xf32>, vector<1x128xf32> -> vector<1x128xf32>
    %dot_general3A_119 = arith.constant dense<0.000000e+00> : vector<1x128xf32>
    %dot_general3A_120 = tpu.matmul %dot_general3A_5, %convert_element_type3A_116, %dot_general3A_119 {dimension_numbers = #tpu.dot_dimension_numbers<[1], [0], [0], [1], [0, 0, 1, 1], [], []>, transpose_lhs_hint = false} : vector<1x256xf32>, vector<256x128xf32>, vector<1x128xf32> -> vector<1x128xf32>
    %iota3A_121 = tpu.iota {dimensions = array<i32: 0>} : vector<128x8xi32>
    %jit3A_122 = arith.constant 16 : i32
    %div3A_123 = vector.broadcast %jit3A_122 : i32 to vector<128x8xi32>
    %div3A_124 = arith.divsi %iota3A_121, %div3A_123 : vector<128x8xi32>
    %sign3A_125 = arith.constant 0 : i32
    %sign3A_126 = vector.broadcast %sign3A_125 : i32 to vector<128x8xi32>
    %sign3A_127 = arith.cmpi sgt, %iota3A_121, %sign3A_126 : vector<128x8xi32>
    %sign3A_128 = arith.extui %sign3A_127 : vector<128x8xi1> to vector<128x8xi32>
    %sign3A_129 = arith.constant 0 : i32
    %sign3A_130 = vector.broadcast %sign3A_129 : i32 to vector<128x8xi32>
    %sign3A_131 = arith.cmpi slt, %iota3A_121, %sign3A_130 : vector<128x8xi32>
    %sign3A_132 = arith.extui %sign3A_131 : vector<128x8xi1> to vector<128x8xi32>
    %sign3A_133 = arith.subi %sign3A_128, %sign3A_132 : vector<128x8xi32>
    %sign3A_134 = arith.constant 0 : i32
    %sign3A_135 = arith.cmpi sgt, %jit3A_122, %sign3A_134 : i32
    %sign3A_136 = arith.extui %sign3A_135 : i1 to i32
    %sign3A_137 = arith.constant 0 : i32
    %sign3A_138 = arith.cmpi slt, %jit3A_122, %sign3A_137 : i32
    %sign3A_139 = arith.extui %sign3A_138 : i1 to i32
    %sign3A_140 = arith.subi %sign3A_136, %sign3A_139 : i32
    %ne3A_141 = vector.broadcast %sign3A_140 : i32 to vector<128x8xi32>
    %ne3A_142 = arith.cmpi ne, %sign3A_133, %ne3A_141 : vector<128x8xi32>
    %rem3A_143 = vector.broadcast %jit3A_122 : i32 to vector<128x8xi32>
    %rem3A_144 = arith.remsi %iota3A_121, %rem3A_143 : vector<128x8xi32>
    %ne3A_145 = arith.constant 0 : i32
    %ne3A_146 = vector.broadcast %ne3A_145 : i32 to vector<128x8xi32>
    %ne3A_147 = arith.cmpi ne, %rem3A_144, %ne3A_146 : vector<128x8xi32>
    %and3A_148 = arith.andi %ne3A_142, %ne3A_147 : vector<128x8xi1>
    %sub3A_149 = arith.constant 1 : i32
    %sub3A_150 = vector.broadcast %sub3A_149 : i32 to vector<128x8xi32>
    %sub3A_151 = arith.subi %div3A_124, %sub3A_150 : vector<128x8xi32>
    %select_n3A_152 = arith.select %and3A_148, %sub3A_151, %div3A_124 : vector<128x8xi1>, vector<128x8xi32>
    %iota3A_153 = tpu.iota {dimensions = array<i32: 1>} : vector<128x8xi32>
    %eq3A_154 = arith.cmpi eq, %select_n3A_152, %iota3A_153 : vector<128x8xi32>
    %convert_element_type3A_155 = arith.extui %eq3A_154 : vector<128x8xi1> to vector<128x8xi32>
    %convert_element_type3A_156 = arith.sitofp %convert_element_type3A_155 : vector<128x8xi32> to vector<128x8xf32>
    %get3A_157 = arith.constant 0 : index
    %get3A_158 = arith.constant 0 : index
    %get3A_159 = vector.load %arg1[%get3A_157, %get3A_158] : memref<400x128xf32, #tpu.memory_space<vmem>>, vector<400x128xf32>
    %get3A_160 = arith.constant 0 : index
    %get3A_161 = arith.constant 0 : index
    %get3A_162 = vector.load %arg3[%get3A_160, %get3A_161] : memref<128x128xf32, #tpu.memory_space<vmem>>, vector<128x128xf32>
    %dot_general3A_163 = arith.constant dense<0.000000e+00> : vector<400x128xf32>
    %dot_general3A_164 = tpu.matmul %get3A_159, %get3A_162, %dot_general3A_163 {dimension_numbers = #tpu.dot_dimension_numbers<[1], [0], [0], [1], [0, 0, 1, 1], [], []>, transpose_lhs_hint = false} : vector<400x128xf32>, vector<128x128xf32>, vector<400x128xf32> -> vector<400x128xf32>
    %get3A_165 = arith.constant 0 : index
    %get3A_166 = arith.constant 0 : index
    %get3A_167 = vector.load %arg2[%get3A_165, %get3A_166] : memref<400x128xf32, #tpu.memory_space<vmem>>, vector<400x128xf32>
    %get3A_168 = arith.constant 0 : index
    %get3A_169 = arith.constant 0 : index
    %get3A_170 = vector.load %arg4[%get3A_168, %get3A_169] : memref<128x128xf32, #tpu.memory_space<vmem>>, vector<128x128xf32>
    %dot_general3A_171 = arith.constant dense<0.000000e+00> : vector<400x128xf32>
    %dot_general3A_172 = tpu.matmul %get3A_167, %get3A_170, %dot_general3A_171 {dimension_numbers = #tpu.dot_dimension_numbers<[1], [0], [0], [1], [0, 0, 1, 1], [], []>, transpose_lhs_hint = false} : vector<400x128xf32>, vector<128x128xf32>, vector<400x128xf32> -> vector<400x128xf32>
    %swap3A = arith.constant 0 : index
    %swap3A_173 = arith.constant 0 : index
    %swap3A_174 = vector.load %arg7[%swap3A, %swap3A_173] : memref<400x128xf32, #tpu.memory_space<vmem>>, vector<400x128xf32>
    tpu.vector_store %arg7[%swap3A, %swap3A_173], %dot_general3A_164 {strides = array<i32>} : memref<400x128xf32, #tpu.memory_space<vmem>>, vector<400x128xf32>,
    %mul3A_175 = vector.broadcast %dot_general3A_120 : vector<1x128xf32> to vector<400x128xf32>
    %mul3A_176 = arith.mulf %dot_general3A_164, %mul3A_175 : vector<400x128xf32>
    %dot_general3A_177 = arith.constant dense<0.000000e+00> : vector<400x8xf32>
    %dot_general3A_178 = tpu.matmul %mul3A_176, %convert_element_type3A_156, %dot_general3A_177 {dimension_numbers = #tpu.dot_dimension_numbers<[1], [0], [0], [1], [0, 0, 1, 1], [], []>, transpose_lhs_hint = false} : vector<400x128xf32>, vector<128x8xf32>, vector<400x8xf32> -> vector<400x8xf32>
    %swap3A_179 = arith.constant 0 : index
    %swap3A_180 = arith.constant 0 : index
    %swap3A_181 = vector.load %arg8[%swap3A_179, %swap3A_180] : memref<400x8xf32, #tpu.memory_space<vmem>>, vector<400x8xf32>
    tpu.vector_store %arg8[%swap3A_179, %swap3A_180], %dot_general3A_178 {strides = array<i32>} : memref<400x8xf32, #tpu.memory_space<vmem>>, vector<400x8xf32>,
    %mul3A_182 = vector.broadcast %dot_general3A_118 : vector<1x128xf32> to vector<400x128xf32>
    %mul3A_183 = arith.mulf %dot_general3A_172, %mul3A_182 : vector<400x128xf32>
    %dot_general3A_184 = arith.constant dense<0.000000e+00> : vector<400x8xf32>
    %dot_general3A_185 = tpu.matmul %mul3A_183, %convert_element_type3A_156, %dot_general3A_184 {dimension_numbers = #tpu.dot_dimension_numbers<[1], [0], [0], [1], [0, 0, 1, 1], [], []>, transpose_lhs_hint = false} : vector<400x128xf32>, vector<128x8xf32>, vector<400x8xf32> -> vector<400x8xf32>
    %swap3A_186 = arith.constant 0 : index
    %swap3A_187 = arith.constant 0 : index
    %swap3A_188 = vector.load %arg9[%swap3A_186, %swap3A_187] : memref<400x8xf32, #tpu.memory_space<vmem>>, vector<400x8xf32>
    tpu.vector_store %arg9[%swap3A_186, %swap3A_187], %dot_general3A_185 {strides = array<i32>} : memref<400x8xf32, #tpu.memory_space<vmem>>, vector<400x8xf32>,
    return
  }
  func.func @transform_0(%arg0: i32) -> (i32, i32) {
    %c0_i32 = arith.constant 0 : i32
    %c0_i32_0 = arith.constant 0 : i32
    return %arg0, %c0_i32 : i32, i32
  }
  func.func @transform_1(%arg0: i32) -> (i32, i32) {
    %c0_i32 = arith.constant 0 : i32
    %c0_i32_0 = arith.constant 0 : i32
    return %arg0, %c0_i32 : i32, i32
  }
  func.func @transform_2(%arg0: i32) -> (i32, i32) {
    %c0_i32 = arith.constant 0 : i32
    %c0_i32_0 = arith.constant 0 : i32
    %c0_i32_1 = arith.constant 0 : i32
    return %c0_i32, %c0_i32_0 : i32, i32
  }
  func.func @transform_3(%arg0: i32) -> (i32, i32) {
    %c0_i32 = arith.constant 0 : i32
    %c0_i32_0 = arith.constant 0 : i32
    %c0_i32_1 = arith.constant 0 : i32
    return %c0_i32, %c0_i32_0 : i32, i32
  }
  func.func @transform_4(%arg0: i32) -> (i32, i32) {
    %c0_i32 = arith.constant 0 : i32
    %c0_i32_0 = arith.constant 0 : i32
    %c0_i32_1 = arith.constant 0 : i32
    return %c0_i32, %c0_i32_0 : i32, i32
  }
  func.func @transform_5(%arg0: i32) -> (i32, i32) {
    %c0_i32 = arith.constant 0 : i32
    %c0_i32_0 = arith.constant 0 : i32
    %c0_i32_1 = arith.constant 0 : i32
    return %c0_i32, %c0_i32_0 : i32, i32
  }
  func.func @transform_6(%arg0: i32) -> (i32, i32) {
    %c0_i32 = arith.constant 0 : i32
    %c0_i32_0 = arith.constant 0 : i32
    return %arg0, %c0_i32 : i32, i32
  }
  func.func @transform_7(%arg0: i32) -> (i32, i32) {
    %c0_i32 = arith.constant 0 : i32
    %c0_i32_0 = arith.constant 0 : i32
    return %arg0, %c0_i32 : i32, i32
  }
  func.func @transform_8(%arg0: i32) -> (i32, i32) {
    %c0_i32 = arith.constant 0 : i32
    %c0_i32_0 = arith.constant 0 : i32
    return %arg0, %c0_i32 : i32, i32
  }
}

module attributes {stable_mosaic.version = 14 : i64} {
  func.func @_post_body(%arg0: i32, %arg1: memref<2x640x128xf32, #tpu.memory_space<vmem>>, %arg2: memref<2x640x16xf32, #tpu.memory_space<vmem>>, %arg3: memref<640x128xf32, #tpu.memory_space<vmem>>) attributes {dimension_semantics = [#tpu.dimension_semantics<arbitrary>], iteration_bounds = array<i64: 16>, scalar_prefetch = 0 : i64, scratch_operands = 0 : i64, tpu.core_type = #tpu.core_type<tc>, window_params = [{transform_indices = @transform_0, window_bounds = array<i64: 2, 640, 128>}, {transform_indices = @transform_1, window_bounds = array<i64: 2, 640, 16>}, {transform_indices = @transform_2, window_bounds = array<i64: 640, 128>}]} {
    %get3A = arith.constant 0 : index
    %get3A_0 = arith.constant 0 : index
    %get3A_1 = arith.constant 0 : index
    %get3A_2 = vector.load %arg1[%get3A, %get3A_0, %get3A_1] : memref<2x640x128xf32, #tpu.memory_space<vmem>>, vector<1x640x128xf32>
    %get3A_3 = vector.shape_cast %get3A_2 : vector<1x640x128xf32> to vector<640x128xf32>
    %get3A_4 = arith.constant 1 : index
    %get3A_5 = arith.constant 0 : index
    %get3A_6 = arith.constant 0 : index
    %get3A_7 = vector.load %arg1[%get3A_4, %get3A_5, %get3A_6] : memref<2x640x128xf32, #tpu.memory_space<vmem>>, vector<1x640x128xf32>
    %get3A_8 = vector.shape_cast %get3A_7 : vector<1x640x128xf32> to vector<640x128xf32>
    %add3A = arith.addf %get3A_3, %get3A_8 : vector<640x128xf32>
    %get3A_9 = arith.constant 0 : index
    %get3A_10 = arith.constant 0 : index
    %get3A_11 = arith.constant 0 : index
    %get3A_12 = vector.load %arg2[%get3A_9, %get3A_10, %get3A_11] : memref<2x640x16xf32, #tpu.memory_space<vmem>>, vector<1x640x16xf32>
    %get3A_13 = vector.shape_cast %get3A_12 : vector<1x640x16xf32> to vector<640x16xf32>
    %get3A_14 = arith.constant 1 : index
    %get3A_15 = arith.constant 0 : index
    %get3A_16 = arith.constant 0 : index
    %get3A_17 = vector.load %arg2[%get3A_14, %get3A_15, %get3A_16] : memref<2x640x16xf32, #tpu.memory_space<vmem>>, vector<1x640x16xf32>
    %get3A_18 = vector.shape_cast %get3A_17 : vector<1x640x16xf32> to vector<640x16xf32>
    %add3A_19 = arith.addf %get3A_13, %get3A_18 : vector<640x16xf32>
    %iota3A = tpu.iota {dimensions = array<i32: 0>} : vector<16x128xi32>
    %iota3A_20 = tpu.iota {dimensions = array<i32: 1>} : vector<16x128xi32>
    %jit3A = arith.constant 16 : i32
    %div3A = vector.broadcast %jit3A : i32 to vector<16x128xi32>
    %div3A_21 = arith.divsi %iota3A_20, %div3A : vector<16x128xi32>
    %sign3A = arith.constant 0 : i32
    %sign3A_22 = vector.broadcast %sign3A : i32 to vector<16x128xi32>
    %sign3A_23 = arith.cmpi sgt, %iota3A_20, %sign3A_22 : vector<16x128xi32>
    %sign3A_24 = arith.extui %sign3A_23 : vector<16x128xi1> to vector<16x128xi32>
    %sign3A_25 = arith.constant 0 : i32
    %sign3A_26 = vector.broadcast %sign3A_25 : i32 to vector<16x128xi32>
    %sign3A_27 = arith.cmpi slt, %iota3A_20, %sign3A_26 : vector<16x128xi32>
    %sign3A_28 = arith.extui %sign3A_27 : vector<16x128xi1> to vector<16x128xi32>
    %sign3A_29 = arith.subi %sign3A_24, %sign3A_28 : vector<16x128xi32>
    %sign3A_30 = arith.constant 0 : i32
    %sign3A_31 = arith.cmpi sgt, %jit3A, %sign3A_30 : i32
    %sign3A_32 = arith.extui %sign3A_31 : i1 to i32
    %sign3A_33 = arith.constant 0 : i32
    %sign3A_34 = arith.cmpi slt, %jit3A, %sign3A_33 : i32
    %sign3A_35 = arith.extui %sign3A_34 : i1 to i32
    %sign3A_36 = arith.subi %sign3A_32, %sign3A_35 : i32
    %ne3A = vector.broadcast %sign3A_36 : i32 to vector<16x128xi32>
    %ne3A_37 = arith.cmpi ne, %sign3A_29, %ne3A : vector<16x128xi32>
    %rem3A = vector.broadcast %jit3A : i32 to vector<16x128xi32>
    %rem3A_38 = arith.remsi %iota3A_20, %rem3A : vector<16x128xi32>
    %ne3A_39 = arith.constant 0 : i32
    %ne3A_40 = vector.broadcast %ne3A_39 : i32 to vector<16x128xi32>
    %ne3A_41 = arith.cmpi ne, %rem3A_38, %ne3A_40 : vector<16x128xi32>
    %and3A = arith.andi %ne3A_37, %ne3A_41 : vector<16x128xi1>
    %sub3A = arith.constant 1 : i32
    %sub3A_42 = vector.broadcast %sub3A : i32 to vector<16x128xi32>
    %sub3A_43 = arith.subi %div3A_21, %sub3A_42 : vector<16x128xi32>
    %select_n3A = arith.select %and3A, %sub3A_43, %div3A_21 : vector<16x128xi1>, vector<16x128xi32>
    %eq3A = arith.cmpi eq, %iota3A, %select_n3A : vector<16x128xi32>
    %lt3A = arith.constant 8 : i32
    %lt3A_44 = vector.broadcast %lt3A : i32 to vector<16x128xi32>
    %lt3A_45 = arith.cmpi slt, %iota3A, %lt3A_44 : vector<16x128xi32>
    %and3A_46 = arith.andi %eq3A, %lt3A_45 : vector<16x128xi1>
    %convert_element_type3A = arith.extui %and3A_46 : vector<16x128xi1> to vector<16x128xi32>
    %convert_element_type3A_47 = arith.sitofp %convert_element_type3A : vector<16x128xi32> to vector<16x128xf32>
    %dot_general3A = arith.constant dense<0.000000e+00> : vector<640x128xf32>
    %dot_general3A_48 = tpu.matmul %add3A_19, %convert_element_type3A_47, %dot_general3A {dimension_numbers = #tpu.dot_dimension_numbers<[1], [0], [0], [1], [0, 0, 1, 1], [], []>, transpose_lhs_hint = false} : vector<640x16xf32>, vector<16x128xf32>, vector<640x128xf32> -> vector<640x128xf32>
    %add3A_49 = arith.constant 9.99999971E-10 : f32
    %add3A_50 = vector.broadcast %add3A_49 : f32 to vector<640x128xf32>
    %add3A_51 = arith.addf %dot_general3A_48, %add3A_50 : vector<640x128xf32>
    %div3A_52 = arith.divf %add3A, %add3A_51 : vector<640x128xf32>
    %max3A = arith.constant 0.000000e+00 : f32
    %max3A_53 = vector.broadcast %max3A : f32 to vector<640x128xf32>
    %max3A_54 = arith.maximumf %div3A_52, %max3A_53 : vector<640x128xf32>
    %swap3A = arith.constant 0 : index
    %swap3A_55 = arith.constant 0 : index
    %swap3A_56 = vector.load %arg3[%swap3A, %swap3A_55] : memref<640x128xf32, #tpu.memory_space<vmem>>, vector<640x128xf32>
    tpu.vector_store %arg3[%swap3A, %swap3A_55], %max3A_54 {strides = array<i32>} : memref<640x128xf32, #tpu.memory_space<vmem>>, vector<640x128xf32>,
    return
  }
  func.func @transform_0(%arg0: i32) -> (i32, i32, i32) {
    %c0_i32 = arith.constant 0 : i32
    %c0_i32_0 = arith.constant 0 : i32
    %c0_i32_1 = arith.constant 0 : i32
    return %c0_i32, %arg0, %c0_i32_0 : i32, i32, i32
  }
  func.func @transform_1(%arg0: i32) -> (i32, i32, i32) {
    %c0_i32 = arith.constant 0 : i32
    %c0_i32_0 = arith.constant 0 : i32
    %c0_i32_1 = arith.constant 0 : i32
    return %c0_i32, %arg0, %c0_i32_0 : i32, i32, i32
  }
  func.func @transform_2(%arg0: i32) -> (i32, i32) {
    %c0_i32 = arith.constant 0 : i32
    %c0_i32_0 = arith.constant 0 : i32
    return %arg0, %c0_i32 : i32, i32
  }
}

</mosaic_0001>

<sc_bundles>
// kernel: kernel.5.cloned.1.call-start
scs
__scs_entry_jumppad:
0x0: {  	(pc) =	sbr.rel $0x88, $3  }
0x1: {  	(tag) =	ssettag $0x0;
	lr =	simm.s32 $0x1  }
0x2: {  	[smem:$0x3F9A] =	sst lr;
	_ =	strace $0xD0000000  }
0x3: {  	_ = 	snop  }
0x4: {  	_ = 	snop  }
0x5: {  	_ = 	snop  }
0x6: {  	_ = 	snop  }
0x7: {  	_ = 	snop  }
__scs_overlays_trampoline_lowered:
0x8: {  	[smem:$0x3FA9] =	sst s0  }
0x9: {  	[smem:$0x3FAA] =	sst s1  }
0xa: {  	[smem:$0x3FAB] =	sst s2  }
0xb: {  	[smem:$0x3FAC] =	sst s3  }
0xc: {  	[smem:$0x3FAD] =	sst s4  }
0xd: {  	[smem:$0x3FAE] =	sst s5  }
0xe: {  	[smem:$0x3FAF] =	sst s6  }
0xf: {  	[smem:$0x3FB0] =	sst s7  }
0x10: {  	[smem:$0x3FB1] =	sst s8  }
0x11: {  	[smem:$0x3FB2] =	sst s9;
	s0 =	simm.s32 @!p0 $0x0  }
0x12: {  	s1 =	sld [smem:$0x3F98];
	s0 =	simm.s32 @p0 $0x1  }
0x13: {  	[smem:$0x3FB3] =	sst s0;
	s0 =	simm.s32 @!p1 $0x0  }
0x14: {  	s2 =	sld [smem:$0x3F97];
	s0 =	simm.s32 @p1 $0x1  }
0x15: {  	[smem:$0x3FB4] =	sst s0;
	s0 =	simm.s32 @!p2 $0x0  }
0x16: {  	s3 =	sld [smem:$0x3FDB];
	s0 =	simm.s32 @p2 $0x1  }
0x17: {  	s4 =	simm.s32 $0x1BF5;
	[smem:$0x3FB6] =	sst s0  }
0x18: {  	s0 =	sld [smem:$0x3F99];
	_ =	swait.ge [sflag:s4], $0x0  }
0x19: {  	s7 =	sld [smem:$0x3F9A]  }
0x1a: {  	s8 =	sadd.s32 $0xFFFFE003, lr  }
0x1b: {  	s9 =	sadd.s32 $0xFFFFFEF7, lr;
	s5 =	simm.s32 $0xFFFFFFFF;
	p2 =	slt.u32 s8, $0xFFFFF086  }
0x1c: {  	p1 =	slt.u32 s9, $0xF7A;
	s5 =	simm.s32 @!p2 $0x0  }
0x1d: {  	s5 =	simm.s32 @p1 $0x1;
	p0 =	seq.s32 s7, s2  }
0x1e: {  	s7 =	smul.u32 @!p0 $0xF7A, s2;
	p2 =	seq.s32 @!p0 s5, $0x0  }
0x1f: {  	s9 =	smul.u32 $0xF7A, s1;
	s8 =	simm.s32 @!p0 $0x1BF5;
	p2 =	por !p2, p0  }
0x20: {  	[sflag:s8] =	ssyncset.s32 @!p0 $0xFFFFF086;
	s6 =	sadd.s32 @!p0 s3, s7;
	s7 =	simm.s32 @!p0 $0x108  }
0x21: {  	s3 =	sadd.s32 s3, s9;
	s6 =	sadd.s32 @!p0 $0x88, s6;
	s7 =	simm.s32 @p2 $0x1082  }
0x22: {  	[simem:s7], [sflag:s8] =	dma.local @!p0 [hbm:s6], $0xF7A  }
0x23: {  	s9 =	sor.u32 $0xD0000000, s2;
	s6 =	simm.s32 $0x108;
	_ =	swait.ge @!p0 [sflag:s8], $0x0  }
0x24: {  	s3 =	sadd.s32 $0x88, s3;
	s6 =	simm.s32 @!p1 $0x1082;
	[sflag:s4] =	ssyncset.s32 $0xFFFFF086  }
0x25: {  	[simem:s6], [sflag:s4] =	dma.local [hbm:s3], $0xF7A  }
0x26: {  	[smem:$0x3F9A] =	sst s1;
	(tag) =	ssettag s2;
	_ =	strace s9  }
0x27: {  	s1 =	sld [smem:$0x3FAA]  }
0x28: {  	s2 =	sld [smem:$0x3FAB]  }
0x29: {  	s4 =	sld [smem:$0x3FAD]  }
0x2a: {  	p0 =	seq.s32 s5, $0x0;
	s5 =	sld [smem:$0x3FAE]  }
0x2b: {  	s6 =	sld [smem:$0x3FAF]  }
0x2c: {  	s7 =	sld [smem:$0x3FB0]  }
0x2d: {  	s3 =	simm.s32 $0x108;
	s8 =	sld [smem:$0x3FB1]  }
0x2e: {  	s3 =	simm.s32 @!p0 $0x1082;
	s9 =	sld [smem:$0x3FB2]  }
0x2f: {  	lr =	sadd.s32 s0, s3;
	s0 =	sld [smem:$0x3FA9]  }
0x30: {  	s3 =	sld [smem:$0x3FAC]  }
0x31: {  	[smem:$0x3FB5] =	sst s10  }
0x32: {  	s10 =	sld [smem:$0x3FB3];
	_ =	sdelay $0x3  }
0x33: {  	p0 =	seq.s32 s10, $0x1;
	s10 =	sld [smem:$0x3FB5];
	_ =	sdelay $0x3  }
0x34: {  	[smem:$0x3FB5] =	sst s10  }
0x35: {  	s10 =	sld [smem:$0x3FB4];
	_ =	sdelay $0x3  }
0x36: {  	p1 =	seq.s32 s10, $0x1;
	s10 =	sld [smem:$0x3FB5];
	_ =	sdelay $0x3  }
0x37: {  	[smem:$0x3FB5] =	sst s10  }
0x38: {  	s10 =	sld [smem:$0x3FB6]  }
0x39: {  	_ = 	snop;
	(pc) =	sbr.ind lr, $3  }
0x3a: {  	_ = 	snop  }
0x3b: {  	_ = 	snop  }
0x3c: {  	p2 =	seq.s32 s10, $0x1;
	s10 =	sld [smem:$0x3FB5]  }
0x3d: {  	_ =	shalt  }
0x3e: {  	_ =	shalt  }
0x3f: {  	_ =	shalt  }
0x40: {  	_ =	shalt  }
0x41: {  	_ =	shalt  }
0x42: {  	_ =	shalt  }
0x43: {  	_ =	shalt  }
0x44: {  	_ =	shalt  }
0x45: {  	_ =	shalt  }
0x46: {  	_ =	shalt  }
0x47: {  	_ =	shalt  }
0x48: {  	_ =	shalt  }
0x49: {  	_ =	shalt  }
0x4a: {  	_ =	shalt  }
0x4b: {  	_ =	shalt  }
0x4c: {  	_ =	shalt  }
0x4d: {  	_ =	shalt  }
0x4e: {  	_ =	shalt  }
0x4f: {  	_ =	shalt  }
0x50: {  	_ =	shalt  }
0x51: {  	_ =	shalt  }
0x52: {  	_ =	shalt  }
0x53: {  	_ =	shalt  }
0x54: {  	_ =	shalt  }
0x55: {  	_ =	shalt  }
0x56: {  	_ =	shalt  }
0x57: {  	_ =	shalt  }
0x58: {  	_ =	shalt  }
0x59: {  	_ =	shalt  }
0x5a: {  	_ =	shalt  }
0x5b: {  	_ =	shalt  }
0x5c: {  	_ =	shalt  }
0x5d: {  	_ =	shalt  }
0x5e: {  	_ =	shalt  }
0x5f: {  	_ =	shalt  }
0x60: {  	_ =	shalt  }
0x61: {  	_ =	shalt  }
0x62: {  	_ =	shalt  }
0x63: {  	_ =	shalt  }
0x64: {  	_ =	shalt  }
0x65: {  	_ =	shalt  }
0x66: {  	_ =	shalt  }
0x67: {  	_ =	shalt  }
0x68: {  	_ =	shalt  }
0x69: {  	_ =	shalt  }
0x6a: {  	_ =	shalt  }
0x6b: {  	_ =	shalt  }
0x6c: {  	_ =	shalt  }
0x6d: {  	_ =	shalt  }
0x6e: {  	_ =	shalt  }
0x6f: {  	_ =	shalt  }
0x70: {  	_ =	shalt  }
0x71: {  	_ =	shalt  }
0x72: {  	_ =	shalt  }
0x73: {  	_ =	shalt  }
0x74: {  	_ =	shalt  }
0x75: {  	_ =	shalt  }
0x76: {  	_ =	shalt  }
0x77: {  	_ =	shalt  }
0x78: {  	_ =	shalt  }
0x79: {  	_ =	shalt  }
0x7a: {  	_ =	shalt  }
0x7b: {  	_ =	shalt  }
0x7c: {  	_ =	shalt  }
0x7d: {  	_ =	shalt  }
0x7e: {  	_ =	shalt  }
0x7f: {  	_ =	shalt  }
0x80: {  	_ =	shalt  }
0x81: {  	_ =	shalt  }
0x82: {  	_ =	shalt  }
0x83: {  	_ =	shalt  }
0x84: {  	_ =	shalt  }
0x85: {  	_ =	shalt  }
0x86: {  	_ =	shalt  }
0x87: {  	_ =	shalt  }
.Lfunc_end0:
.L_simem_size_0:
called_computation_lowered:
.L_overlay_start_0:
0x88: {  	s2 =	sld [smem:$0x3FD9]  }
0x89: {  	s3 =	sld [smem:$0x3FFE];
	_ =	sdelay $0x1  }
0x8a: {  	s1 =	srdreg.scid  }
0x8b: {  	s0 =	sand.u32 $0x1, s1  }
0x8c: {  	s17 =	sshll.u32 s0, $0xA;
	s2 =	sadd.s32 s3, s2  }
0x8d: {  	s2 =	sadd.s32 s2, s17  }
0x8e: {  	[smem:$0x3FC1] =	sst s2  }
0x8f: {  	_ = 	snop  }
0x90: {  	s2 =	sld [smem:$0x3FD0];
	(tm) =	ssettm $0x1  }
0x91: {  	s18 =	sld [smem:$0x3FFB];
	_ =	sdelay $0x3  }
0x92: {  	_ =	strace s18  }
0x93: {  	s3 =	sld [smem:$0x3FFC];
	_ =	sdelay $0x3  }
0x94: {  	_ =	strace s3  }
0x95: {  	s3 =	sld [smem:$0x3FFD];
	_ =	sdelay $0x3  }
0x96: {  	_ =	strace s3  }
0x97: {  	_ =	strace $0x8FFFFFFF  }
0x98: {  	s19 =	sld [smem:$0x3FDB];
	_ =	sdelay $0x1  }
0x99: {  	s4 =	simm.s32 $_scs_section_size  }
0x9a: {  	s5 =	simm.s32 $_size__tile_overlayer_lowered;
	s6 =	simm.s32 $_tile_overlayer_lowered  }
0x9b: {  	s22 =	simm.s32 $0x1BFF;
	s21 =	sshll.u32 s6, $0x1;
	s3 =	sadd.s32 s4, s19  }
0x9c: {  	s7 =	simm.s32 $0x0;
	s20 =	sshll.u32 s5, $0x1;
	s5 =	sadd.s32 s21, s3  }
0x9d: {  	[timem:s7], [sflag:s22] =	dma.local [hbm:s5], s20  }
0x9e: {  	_ =	swait.ge [sflag:s22], s20  }
0x9f: {  	s4 =	ssub.s32 $0x0, s20;
	[sflag:s22] =	ssyncset.done $0x0  }
0xa0: {  	[sflag:s22] =	ssyncadd.s32 s4;
	_ =	sdelay $0x1  }
0xa1: {  	s23 =	simm.s32 $0x1B8B  }
0xa2: {  	_ =	swait.ge [sflag:s23], $0x1  }
0xa3: {  	[sflag:s23] =	ssyncset.done $0x0  }
0xa4: {  	s25 =	simm.s32 $0x1B8E;
	s24 =	sld [smem:$0x3FFE];
	[sflag:s23] =	ssyncadd.s32 $0xFFFFFFFF  }
0xa5: {  	s26 =	simm.s32 $execute0_lowered;
	[smem:$0x3FD2] =	sst s25  }
0xa6: {  	s5 =	sshll.u32 s26, $0x1;
	_ =	strace $0x80000046;
	[dreg:$0x1] =	wrdreg $0xFFFFFFFF  }
0xa7: {  	s28 =	simm.s32 $_size_execute0_lowered;
	s3 =	sadd.s32 s3, s5;
	[dreg:$0x0] =	wrdreg $0x0  }
0xa8: {  	s5 =	sshll.u32 s28, $0x1;
	[dreg:$0x2] =	wrdreg s3  }
0xa9: {  	[dreg:$0x3] =	wrdreg s5  }
0xaa: {  	[dreg:$0x4] =	wrdreg $0xC0  }
0xab: {  	_ =	task [dreg:s7], $0x5FFFF  }
0xac: {  	[dreg:$0x1] =	wrdreg $0xFFFFFFFF  }
0xad: {  	[dreg:$0x0] =	wrdreg $0x60  }
0xae: {  	[dreg:$0x2] =	wrdreg s2  }
0xaf: {  	[dreg:$0x3] =	wrdreg s24  }
0xb0: {  	[dreg:$0x4] =	wrdreg $0x59000  }
0xb1: {  	[dreg:$0x5] =	wrdreg $0x199000  }
0xb2: {  	[dreg:$0x6] =	wrdreg $0x9  }
0xb3: {  	_ =	task.clear_ibuf [dreg:s7], $0x7FFFF;
	_ =	strace $0x90000046  }
0xb4: {  	s29 =	simm.s32 $0x9;
	_ =	strace $0x80000048  }
0xb5: {  	_ =	swait.ge [sflag:s29], $0x1  }
0xb6: {  	[sflag:s29] =	ssyncadd.s32 $0xFFFFFFFF  }
0xb7: {  	_ =	strace $0x90000048  }
0xb8: {  	_ =	sfence  }
0xb9: {  	s30 =	sld [smem:$0x0];
	_ =	sdelay $0x2  }
0xba: {  	s31 =	sshll.u32 s1, $0xD;
	s1 =	sshrl.u32 s1, $0x2  }
0xbb: {  	s3 =	sand.u32 $0x4000, s31;
	s1 =	sadd.s32 s1, s30  }
0xbc: {  	s0 =	sor.u32 s3, s0;
	s1 =	sshll.u32 s1, $0x11  }
0xbd: {  	s0 =	sor.u32 s1, s0  }
0xbe: {  	s0 =	sadd.s32 $0x8F2B, s0  }
0xbf: {  	[sflag:s0] =	ssyncadd.remote.s32 $0x1  }
0xc0: {  	_ =	sfence.sel $0xFFFF  }
0xc1: {  	[dreg:$0x0] =	wrdreg $0xFFFFFFFF;
	(pc) =	sbr.abs _section_cstart, $3  }
0xc2: {  	[dreg:$0x1] =	wrdreg $0xFFFFFFFF  }
0xc3: {  	_ =	task.clear_ibuf [dreg:s7], $0x2FFFF;
	_ =	strace $0x9FFFFFFF  }
0xc4: {  	(tm) =	ssettm $0x7FFFFFFF  }
0xc5: {  	_ =	shalt  }
tec
execute0_lowered:
.L_overlay_start_1:
0x0: {  	(tag) =	ssettag $0x1  }
0x1: {  	s1 =	rddreg [dreg:$0x0]  }
0x2: {  	s0 =	rddreg [dreg:$0x1]  }
0x3: {  	s2 =	rddreg [dreg:$0x2]  }
0x4: {  	s3 =	rddreg [dreg:$0x3];
	s5 =	simm.s32 $0x0;
	s19 =	stileid.u32  }
0x5: {  	s8 =	srdreg.scid;
	s21 =	simm.s32 $0x80;
	s28 =	simm.s32 $0x3  }
0x6: {  	s29 =	simm.s32 $0x5100;
	[smem:$0x7FF] =	sst s5;
	s4 =	smul.u32 $0x14000, s19  }
0x7: {  	s6 =	sadd.s32 $0x6200, s0;
	s7 =	sadd.s32 $0x1200, s0;
	s12 =	smul.u32 $0x2800, s19  }
0x8: {  	s10 =	sand.u32 $0x1, s8;
	s8 =	sadd.s32 $0x15000, s0;
	s9 =	sadd.s32 $0xB200, s0  }
0x9: {  	s24 =	sshll.u32 s19, $0x1;
	s26 =	sshll.u32 s19, $0x6;
	s11 =	smul.u32 $0x140000, s10  }
0xa: {  	s19 =	simm.s32 $0x4;
	_ =	strace $0x80000047;
	s15 =	smul.u32 $0x28000, s10  }
0xb: {  	s16 =	ssub.s32 $0x2, s10;
	s25 =	sor.u32 s10, s24;
	s24 =	simm.s32 $0x1100  }
0xc: {  	s13 =	sshrl.u32 s4, $0x3;
	s14 =	sshrl.u32 s12, $0x3;
	s23 =	sshrl.u32 s16, $0x1  }
0xd: {  	s20 =	sadd.s32 s12, s3;
	s31 =	ssub.s32 $0x9E3, s25;
	s13 =	sadd.s32 s13, s0  }
0xe: {  	s14 =	sadd.s32 s14, s0;
	s11 =	sadd.s32 s4, s11;
	s15 =	sadd.s32 s12, s15  }
0xf: {  	s18 =	ssub.s32 s16, s23;
	s4 =	sadd.s32 s4, s2;
	s16 =	sshrl.u32 s31, $0x5  }
0x10: {  	s20 =	sshrl.u32 s20, $0x3;
	s23 =	simm.s32 $0x900;
	s11 =	sshrl.u32 s11, $0x3  }
0x11: {  	s22 =	sshrl.u32 s15, $0x3;
	s30 =	sadd.s32 $0x1EE00, s13;
	s12 =	sadd.s32 $0x46E00, s14  }
0x12: {  	s13 =	sshll.u32 s25, $0x7;
	s25 =	simm.s32 $0x1;
	s17 =	sadd.s32 s11, s0  }
0x13: {  	v0 =	vimm.s32 $0x0;
	v1 =	vimm.s32 $0x1;
	s0 =	sadd.s32 s22, s0;
	[dreg:$0x5] =	wrdreg s30;
	s11 =	sor.u32 $0x1C04, s26  }
0x14: {  	v2 =	vimm.s32 $0x2;
	v3 =	vimm.s32 $0x3;
	v4 =	vimm.s32 $0x4;
	s22 =	simm.s32 $0x100;
	s26 =	simm.s32 $0x2;
	s14 =	sadd.s32 $0x55E00, s17  }
0x15: {  	v5 =	vimm.s32 $0x5;
	v6 =	vimm.s32 $0x6;
	v7 =	vimm.s32 $0x7;
	s15 =	sadd.s32 $0x4BE00, s0;
	s17 =	smax.u32 s18, $0x1;
	s18 =	sshrl.u32 s4, $0x3  }
.LBB2_1:
0x16: {  	s0 =	rddreg [dreg:$0x5]  }
0x17: {  	[spmem:s18], [sflag:s11] =	dma.local [hbm:s0], $0x2800  }
0x18: {  	_ =	swait.ge [sflag:s19], $0x2800  }
0x19: {  	[sflag:s19] =	ssyncset.done $0x0  }
0x1a: {  	[sflag:s19] =	ssyncadd.s32 $0xFFFFD800  }
0x1b: {  	[spmem:s20], [sflag:s11] =	dma.local [hbm:s12], $0x500  }
0x1c: {  	_ =	swait.ge [sflag:s19], $0x500  }
0x1d: {  	[sflag:s19] =	ssyncset.done $0x0  }
0x1e: {  	[sflag:s19] =	ssyncadd.s32 $0xFFFFFB00  }
0x1f: {  	s30 =	simm.s32 $0x0;
	[bflag:$0x0] =	sbarrier.arrive $0xFFFF  }
.LBB2_2:
0x20: {  	s0 =	sshll.u32 s30, $0xC  }
0x21: {  	s0 =	sor.u32 s13, s0  }
0x22: {  	s0 =	sshrl.u32 s0, $0x3  }
0x23: {  	s31 =	simm.s32 $0x0;
	s4 =	sadd.s32 s8, s0  }
0x24: {  	[tilespmem:s31], [sflag:$0x4] =	stream.linear.gather [hbm4b:s4+s31], $0x80, $0x38;
	[tilespmem:$0x1C100] =	vst v63  }
0x25: {  	_ =	swait.ge [sflag:s19], $0x80  }
0x26: {  	[sflag:s19] =	ssyncset.done $0x0  }
0x27: {  	s0 =	sadd.s32 s9, s0;
	[sflag:s19] =	ssyncadd.s32 $0xFFFFFF80  }
0x28: {  	[tilespmem:s21], [sflag:$0x4] =	stream.linear.gather [hbm4b:s0+s31], $0x80, $0x38;
	[tilespmem:$0x1C100] =	vst v63  }
0x29: {  	_ =	swait.ge [sflag:s19], $0x80  }
0x2a: {  	[sflag:s19] =	ssyncset.done $0x0  }
0x2b: {  	[sflag:s19] =	ssyncadd.s32 $0xFFFFFF80  }
0x2c: {  	[tilespmem:s22], [sflag:$0x1] =	stream.indirect.gather [hbm4b:s6+s21], $0x10, s31, s21, $0xb8;
	[tilespmem:$0x1C100] =	vst v63  }
0x2d: {  	_ = 	snop  }
0x2e: {  	[tilespmem:s23], [sflag:$0x2] =	stream.indirect.gather [hbm4b:s7+s21], $0x10, s21, s21, $0xb8;
	[tilespmem:$0x1C100] =	vst v63  }
0x2f: {  	_ = 	snop  }
0x30: {  	[tilespmem:s24], [sflag:$0x3] =	stream.indirect.gather [hbm4b:s1+s21], $0x80, s31, s21, $0xb8;
	[tilespmem:$0x1C100] =	vst v63  }
0x31: {  	_ =	swait.ge [sflag:s25], $0x800  }
0x32: {  	[sflag:s25] =	ssyncset.done $0x0  }
0x33: {  	[sflag:s25] =	ssyncadd.s32 $0xFFFFF800  }
0x34: {  	_ =	swait.ge [sflag:s26], $0x800  }
0x35: {  	[sflag:s26] =	ssyncset.done $0x0  }
0x36: {  	[sflag:s26] =	ssyncadd.s32 $0xFFFFF800  }
0x37: {  	_ =	swait.ge [sflag:s28], $0x4000  }
0x38: {  	[sflag:s28] =	ssyncset.done $0x0  }
0x39: {  	s10 =	simm.s32 $0x0;
	[sflag:s28] =	ssyncadd.s32 $0xFFFFC000  }
0x3a: {  	v8 =	vld [tilespmem:s10+$0x100]  }
0x3b: {  	v9 =	vld [tilespmem:s10+$0x900];
	_ =	sdelay $0x4  }
0x3c: {  	v8 =	vadd.f32 v9, v8;
	_ =	sdelay $0x1  }
0x3d: {  	v9 =	vmul.f32 $2.000000030e-01, v8  }
0x3e: {  	vm0 =	vgt.f32 v8, $0.0e+00  }
0x3f: {  	v8 =	vsel vm0, v8, v9  }
0x40: {  	v8 =	vmul.f32 $1.442695020e+00, v8;
	_ =	sdelay $0x1  }
0x41: {  	(erf) = vpow2.f32 v8;
	_ =	sdelay $0x8  }
0x42: {  	v8 =	vpop (erf)  }
0x43: {  	s31 =	simm.s32 $0x1140;
	[tilespmem:s10+$0x5100] =	vst v8  }
0x44: {  	v16 =	vld [tilespmem:s31+$0x30]  }
0x45: {  	v14 =	vld [tilespmem:s31+$0x10]  }
0x46: {  	v13 =	vld [tilespmem:s31+$0xFFFFFFE0]  }
0x47: {  	v18 =	vperm.xlane v8, v7;
	v10 =	vld [tilespmem:s31+$0x20]  }
0x48: {  	v9 =	vperm.xlane v8, v6;
	v17 =	vperm.xlane v8, v5;
	v12 =	vld [tilespmem:s31+$0xFFFFFFD0]  }
0x49: {  	s4 =	simm.s32 $0x1140;
	s0 =	simm.s32 $0x40;
	v15 =	vperm.xlane v8, v2;
	v11 =	vld [tilespmem:s31+$0x0];
	v16 =	vmul.f32 v16, v18  }
.LBB2_3:
0x4a: {  	p0 =	sne.s32 s0, $0x1FC0  }
0x4b: {  	v18 =	vld [tilespmem:s31+$0xFFFFFFF0];
	v14 =	vmul.f32 v14, v17;
	s4 =	sadd.s32 $0x80, s4;
	s10 =	smov.u32 s0;
	s0 =	sadd.s32 $0x40, s0  }
0x4c: {  	v19 =	vperm.xlane v8, v1;
	v17 =	vld [tilespmem:s31+$0xFFFFFFC0];
	v13 =	vmul.f32 v13, v15;
	[tilespmem:s31+$0x30] =	vst v16  }
0x4d: {  	v15 =	vperm.xlane v8, v4;
	[tilespmem:s31+$0x10] =	vst v14;
	v9 =	vmul.f32 v10, v9  }
0x4e: {  	v10 =	vmul.f32 v12, v19;
	[tilespmem:s31+$0xFFFFFFE0] =	vst v13;
	v12 =	vperm.xlane v8, v3  }
0x4f: {  	v8 =	vperm.xlane v8, v0;
	v11 =	vmul.f32 v11, v15;
	[tilespmem:s31+$0x20] =	vst v9  }
0x50: {  	[tilespmem:s31+$0xFFFFFFD0] =	vst v10;
	v9 =	vmul.f32 v18, v12  }
0x51: {  	v8 =	vmul.f32 v17, v8;
	[tilespmem:s31+$0x0] =	vst v11  }
0x52: {  	[tilespmem:s31+$0xFFFFFFF0] =	vst v9  }
0x53: {  	s10 =	sshra.s32 s10, $0x2;
	[tilespmem:s31+$0xFFFFFFC0] =	vst v8;
	s31 =	smov.u32 s4  }
0x54: {  	v8 =	vld [tilespmem:s10+$0x100]  }
0x55: {  	v9 =	vld [tilespmem:s10+$0x900];
	_ =	sdelay $0x4  }
0x56: {  	v8 =	vadd.f32 v9, v8;
	_ =	sdelay $0x1  }
0x57: {  	vm0 =	vgt.f32 v8, $0.0e+00;
	v9 =	vmul.f32 $2.000000030e-01, v8;
	_ =	sdelay $0x1  }
0x58: {  	v8 =	vsel vm0, v8, v9  }
0x59: {  	v8 =	vmul.f32 $1.442695020e+00, v8;
	_ =	sdelay $0x1  }
0x5a: {  	(erf) = vpow2.f32 v8;
	_ =	sdelay $0x8  }
0x5b: {  	v8 =	vpop (erf)  }
0x5c: {  	[tilespmem:s10+$0x5100] =	vst v8;
	v9 =	vperm.xlane v8, v6  }
0x5d: {  	v16 =	vld [tilespmem:s4+$0x30]  }
.Ltmp0:
0x5e: {  	v14 =	vld [tilespmem:s4+$0x10];
	(pc) =	sbr.rel @p0 .LBB2_3-.Ltmp0, $4  }
0x5f: {  	v18 =	vperm.xlane v8, v7;
	v13 =	vld [tilespmem:s4+$0xFFFFFFE0]  }
0x60: {  	v10 =	vld [tilespmem:s4+$0x20]  }
0x61: {  	v17 =	vperm.xlane v8, v5;
	v12 =	vld [tilespmem:s4+$0xFFFFFFD0]  }
0x62: {  	v15 =	vperm.xlane v8, v2;
	v11 =	vld [tilespmem:s4+$0x0];
	v16 =	vmul.f32 v16, v18  }
0x63: {  	v18 =	vld [tilespmem:s31+$0xFFFFFFF0];
	v14 =	vmul.f32 v14, v17  }
0x64: {  	v59 =	vld [tilespmem:s31+$0xFFFFFFC0];
	v19 =	vperm.xlane v8, v1;
	v13 =	vmul.f32 v13, v15;
	[tilespmem:s31+$0x30] =	vst v16  }
0x65: {  	v60 =	vperm.xlane v8, v4;
	[tilespmem:s31+$0x10] =	vst v14;
	v9 =	vmul.f32 v10, v9  }
0x66: {  	v62 =	vperm.xlane v8, v3;
	v61 =	vmul.f32 v12, v19;
	[tilespmem:s31+$0xFFFFFFE0] =	vst v13  }
0x67: {  	v8 =	vperm.xlane v8, v0;
	v11 =	vmul.f32 v11, v60;
	[tilespmem:s31+$0x20] =	vst v9  }
0x68: {  	[tilespmem:s31+$0xFFFFFFD0] =	vst v61;
	v63 =	vmul.f32 v18, v62  }
0x69: {  	v8 =	vmul.f32 v59, v8;
	[tilespmem:s31+$0x0] =	vst v11  }
0x6a: {  	[tilespmem:s31+$0xFFFFFFF0] =	vst v63  }
0x6b: {  	[tilespmem:s31+$0xFFFFFFC0] =	vst v8  }
0x6c: {  	[spmem:s3] =	stream.indirect.scatter.add.f32 [tilespmem:s29], [sflag:$0x4], $0x10, s21, s21, $0xb8;
	[tilespmem:$0x1C100] =	vst v63  }
0x6d: {  	s30 =	sadd.s32 $0x1, s30;
	_ =	swait.ge [sflag:s19], $0x800  }
0x6e: {  	p0 =	sne.s32 s30, s16;
	[sflag:s19] =	ssyncset.done $0x0  }
.Ltmp1:
0x6f: {  	[sflag:s19] =	ssyncadd.s32 $0xFFFFF800;
	(pc) =	sbr.rel @p0 .LBB2_2-.Ltmp1, $4  }
0x70: {  	[spmem:s2] =	stream.indirect.scatter.add.f32 [tilespmem:s24], [sflag:$0x4], $0x80, s21, s21, $0xb8;
	[tilespmem:$0x1C100] =	vst v63  }
0x71: {  	_ =	swait.ge [sflag:s19], $0x4000  }
0x72: {  	[sflag:s19] =	ssyncset.done $0x0  }
0x73: {  	[sflag:s19] =	ssyncadd.s32 $0xFFFFC000  }
0x74: {  	[bflag:$0x0] =	sbarrier.arrive $0xFFFF  }
0x75: {  	[hbm:s14], [sflag:s11] =	dma.local [spmem:s18], $0x2800  }
0x76: {  	s5 =	sadd.s32 $0x1, s5;
	_ =	swait.ge [sflag:s19], $0x2800  }
0x77: {  	p0 =	sne.s32 s5, s17;
	[sflag:s19] =	ssyncset.done $0x0  }
.Ltmp2:
0x78: {  	[sflag:s19] =	ssyncadd.s32 $0xFFFFD800;
	(pc) =	sbr.rel @p0 .LBB2_1-.Ltmp2, $4  }
0x79: {  	[hbm:s15], [sflag:s11] =	dma.local [spmem:s20], $0x500  }
0x7a: {  	_ =	swait.ge [sflag:s19], $0x500  }
0x7b: {  	[sflag:s19] =	ssyncset.done $0x0  }
0x7c: {  	[sflag:s19] =	ssyncadd.s32 $0xFFFFFB00  }
0x7d: {  	_ =	sfence.sel $0x180000  }
0x7e: {  	[bflag:$0x0] =	sbarrier.arrive $0xFFFF  }
0x7f: {  	_ =	strace $0x90000047  }
0x80: {  	s0 =	stileid.u32;
	[bflag:$0x2] =	sbarrier.arrive $0xFFFF  }
0x81: {  	p0 =	sne.s32 s0, $0x0;
	s0 =	rddreg [dreg:$0x4]  }
0x82: {  	s0 =	sadd.s32 @!p0 $0x100000, s0  }
0x83: {  	[sflag:s0] =	ssyncadd.tile.s32 @!p0 $0x1;
	_ =	shalt  }
.Lfunc_end2:
_tile_overlayer_lowered:
.L_overlay_start_2:
0x84: {  	(tag) =	ssettag $0x2  }
0x85: {  	s0 =	rddreg [dreg:$0x0];
	s2 =	stileid.u32  }
0x86: {  	s1 =	rddreg [dreg:$0x1];
	p0 =	sne.s32 s2, $0x0  }
0x87: {  	s3 =	rddreg [dreg:$0x2];
	[bflag:$0x3] =	sbarrier.arrive $0xFFFF;
	s2 =	simm.s32 @!p0 $0x1C04  }
0x88: {  	[timem:s3], [sflag:s2] =	dma.local @!p0 [hbm:s0], s1  }
0x89: {  	s0 =	simm.s32 @!p0 $0x4  }
0x8a: {  	_ =	swait.ge @!p0 [sflag:s0], s1  }
0x8b: {  	s1 =	ssub.s32 @!p0 $0x0, s1;
	[sflag:s0] =	ssyncset.done @!p0 $0x0  }
0x8c: {  	[sflag:s0] =	ssyncadd.s32 @!p0 s1  }
0x8d: {  	[bflag:$0x3] =	sbarrier.arrive $0xFFFF  }
0x8e: {  	_ =	shalt  }

</sc_bundles>
